<compile_context>
chip_gen: v7x
topology: tpu7x:2x2x1
jax: 0.10.2.dev20260603
libtpu: 0.0.44.dev20260713+nightly
codegen_flags: <defaults>
</compile_context>

<pallas_src>
import functools

import jax
import jax.numpy as jnp
import numpy as np
from jax import lax
from jax.experimental import pallas as pl
from jax.experimental.pallas import tpu as pltpu
from jax.experimental.pallas import tpu_sc as plsc

_LEVELS = np.array([8, 5, 5, 5])
_G = 4
_NQ = 8
_L = 4
_DIM = 768
_DG = _DIM // _G
_GL = _G * _L
_TB = 1024
_NTOK = 16 * 1024
_NBINS = 1024
_NROW = _G * _NQ


def _fsq_body(x_ref, w2t_ref, wout2_ref, bin_ref, bout_ref, isc_ref,
              qm_ref, bc_ref, ones_ref, idx_ref, q_ref, loss_ref, loss_acc):
    i = pl.program_id(0)
    nsteps = pl.num_programs(0)

    @pl.when(i == 0)
    def _init():
        loss_acc[...] = jnp.zeros_like(loss_acc)

    xblk = x_ref[...]
    z_tok = jax.lax.dot_general(
        xblk, w2t_ref[...], (((1,), (0,)), ((), ())),
        preferred_element_type=jnp.float32)
    z = z_tok.T + bin_ref[...]

    half_l = bc_ref[:, 0:1]
    offset = bc_ref[:, 1:2]
    shift = bc_ref[:, 2:3]
    half_w = bc_ref[:, 3:4]

    resid = z
    qout = jnp.zeros_like(z)
    for q in range(_NQ):
        inv_scale = isc_ref[:, q:q + 1]
        qmul = qm_ref[:, q:q + 1]
        zq = jnp.tanh(resid * inv_scale + shift) * half_l - offset
        codes = jnp.round(zq)
        quant = codes * qmul
        resid = resid - quant
        qout = qout + quant
        d = (codes + half_w).reshape(_G, _L, _TB)
        p = (d[:, 0, :] + 8.0 * d[:, 1, :]).astype(jnp.int32)
        h = (d[:, 2, :] + 5.0 * d[:, 3, :]).astype(jnp.int32)
        idx_ref[:, q, :] = p + 40 * h

    out = jax.lax.dot_general(
        qout, wout2_ref[...], (((0,), (0,)), ((), ())),
        preferred_element_type=jnp.float32) + bout_ref[...]
    q_ref[...] = out
    diff = out - xblk
    psum = jax.lax.dot_general(
        ones_ref[...], diff * diff, (((1,), (0,)), ((), ())),
        preferred_element_type=jnp.float32)
    loss_acc[...] += psum

    @pl.when(i == nsteps - 1)
    def _fin():
        loss_ref[...] = jnp.sum(loss_acc[...], axis=1, keepdims=True) * (
            1.0 / float(nsteps * _TB * _DIM))


def _sc_log(v):
    bits = lax.bitcast_convert_type(v, jnp.int32)
    e = ((bits >> 23) & 0xFF) - 127
    m = lax.bitcast_convert_type((bits & 0x7FFFFF) | 0x3F800000, jnp.float32)
    s = (m - 1.0) / (m + 1.0)
    s2 = s * s
    ln_m = 2.0 * s * (1.0 + s2 * (1.0 / 3.0 + s2 * (0.2 + s2 * (1.0 / 7.0))))
    return e.astype(jnp.float32) * 0.6931471805599453 + ln_m


def _hist_body(idx_hbm, met_hbm, idx_v, hist_v, met_v):
    wid = lax.axis_index("s") * 2 + lax.axis_index("c")
    pltpu.sync_copy(idx_hbm.at[wid], idx_v)
    zero16 = jnp.zeros((16,), jnp.float32)
    ones16 = jnp.ones((16,), jnp.float32)
    lanes = lax.broadcasted_iota(jnp.int32, (16,), 0)

    def _zero(k, _):
        for r in range(16):
            hist_v[r, pl.ds(k * 16, 16)] = zero16
        return 0
    lax.fori_loop(0, _NBINS // 16, _zero, 0, unroll=2)

    def _scat(k, _):
        iv = idx_v[pl.ds(k * 16, 16)]
        plsc.addupdate_scatter(hist_v, [lanes, iv], ones16)
        return 0
    lax.fori_loop(0, _NTOK // 16, _scat, 0, unroll=16)

    inv_n = 1.0 / float(_NTOK)

    def _ent(c, acc):
        cnt = hist_v[0, pl.ds(c * 16, 16)]
        for r in range(1, 16):
            cnt = cnt + hist_v[r, pl.ds(c * 16, 16)]
        probs = cnt * inv_n
        plogp = jnp.where(probs > 0, probs * _sc_log(probs + 1e-10), 0.0)
        return acc - plogp
    ent16 = lax.fori_loop(0, _NBINS // 16, _ent, zero16, unroll=2)
    ent = jnp.sum(ent16)
    met_v[...] = jnp.exp(jnp.full((16,), ent, jnp.float32))
    pltpu.sync_copy(met_v, met_hbm.at[wid])


_hist_call = pl.kernel(
    _hist_body,
    out_type=jax.ShapeDtypeStruct((_NROW, 16), jnp.float32),
    mesh=plsc.VectorSubcoreMesh(core_axis_name="c", subcore_axis_name="s"),
    scratch_types=[
        pltpu.VMEM((_NTOK,), jnp.int32),
        pltpu.VMEM((16, _NBINS), jnp.float32),
        pltpu.VMEM((16,), jnp.float32),
    ],
    compiler_params=pltpu.CompilerParams(
        use_tc_tiling_on_sc=False, needs_layout_passes=False),
)


@jax.jit
def kernel(x, w_in, b_in, w_out, b_out):
    B, T, D = x.shape
    ntok = B * T
    nsteps = ntok // _TB
    xf = x.reshape(ntok, D)

    w2t = jax.scipy.linalg.block_diag(*[w_in[g] for g in range(_G)])
    wout2 = jax.scipy.linalg.block_diag(*[w_out[g] for g in range(_G)])
    bin_c = b_in.reshape(_GL, 1)
    bout_r = b_out.reshape(1, D)

    levels = jnp.tile(jnp.asarray(_LEVELS, jnp.float32), _G)
    eps = 1e-3
    half_l = (levels - 1.0) * (1.0 - eps) / 2.0
    offset = jnp.tile(jnp.where(jnp.asarray(_LEVELS % 2 == 0), 0.5, 0.0), _G)
    shift = jnp.arctanh(offset / half_l)
    half_w = jnp.tile(jnp.asarray(_LEVELS // 2, jnp.float32), _G)
    qs = jnp.arange(_NQ, dtype=jnp.float32)
    inv_scales = (levels - 1.0)[:, None] ** qs[None, :]
    scales = (levels - 1.0)[:, None] ** (-qs[None, :])
    qmuls = scales / half_w[:, None]
    bconsts = jnp.stack([half_l, offset, shift, half_w], axis=1)
    ones_row = jnp.ones((1, _TB), jnp.float32)

    const_spec = pl.BlockSpec(index_map=lambda i: (0, 0))
    idx_t, qf, loss = pl.pallas_call(
        _fsq_body,
        grid=(nsteps,),
        in_specs=[
            pl.BlockSpec((_TB, D), lambda i: (i, 0)),
            const_spec, const_spec, const_spec, const_spec, const_spec,
            const_spec, const_spec, const_spec,
        ],
        out_specs=[
            pl.BlockSpec((_G, _NQ, _TB), lambda i: (0, 0, i)),
            pl.BlockSpec((_TB, D), lambda i: (i, 0)),
            pl.BlockSpec((1, 1), lambda i: (0, 0)),
        ],
        out_shape=[
            jax.ShapeDtypeStruct((_G, _NQ, ntok), jnp.int32),
            jax.ShapeDtypeStruct((ntok, D), jnp.float32),
            jax.ShapeDtypeStruct((1, 1), jnp.float32),
        ],
        scratch_shapes=[
            pltpu.VMEM((1, _DIM), jnp.float32),
        ],
        compiler_params=pltpu.CompilerParams(
            dimension_semantics=("arbitrary",)),
    )(xf, w2t, wout2, bin_c, bout_r, inv_scales, qmuls, bconsts, ones_row)

    met = _hist_call(idx_t.reshape(_NROW, ntok))

    all_indices = idx_t.transpose(0, 2, 1).reshape(_G, B, T, _NQ)
    quantized = qf.reshape(B, T, D)
    return (all_indices, quantized, loss.reshape(()), met[:, 0].reshape(_G, _NQ))

# --- scband reference (transcript-rebuilt; emitter-appended) ---
"""Pipeline reference for scband-grfsq-bottleneck-block-34213709480063 (READ-ONLY COPY).

The authoritative reference and input builder live on the scoring server;
editing this copy changes nothing except your own understanding.
"""

import jax, jax.numpy as jnp
import numpy as np

DIM = 768
GROUPS = 4
NQ = 8
LEVELS = np.array([8, 5, 5, 5])
L = len(LEVELS)
DIM_G = DIM // GROUPS
CODEBOOK_SIZE = int(np.prod(LEVELS))
BASIS = np.concatenate([[1], np.cumprod(LEVELS[:-1])]).astype(np.float32)


def setup_inputs(seed: int = 0):
    key = jax.random.key(seed)
    ks = jax.random.split(key, 4)
    x = jax.random.normal(ks[0], (16, 1024, DIM), dtype=jnp.float32)
    w_in = jax.random.normal(ks[1], (GROUPS, DIM_G, L), dtype=jnp.float32) * (DIM_G ** -0.5)
    b_in = jnp.zeros((GROUPS, L), dtype=jnp.float32)
    w_out = jax.random.normal(ks[2], (GROUPS, L, DIM_G), dtype=jnp.float32) * (L ** -0.5)
    b_out = jnp.zeros((GROUPS, DIM_G), dtype=jnp.float32)
    return {"x": x, "w_in": w_in, "b_in": b_in, "w_out": w_out, "b_out": b_out}


def _round_ste(z):
    return z + jax.lax.stop_gradient(jnp.round(z) - z)


def _bound(z, eps=1e-3):
    levels = jnp.asarray(LEVELS, dtype=z.dtype)
    half_l = (levels - 1.0) * (1.0 - eps) / 2.0
    offset = jnp.where(levels % 2 == 0, 0.5, 0.0)
    shift = jnp.arctanh(offset / half_l)
    return jnp.tanh(z + shift) * half_l - offset


def _grfsq_forward(x, w_in, b_in, w_out, b_out):
    B, T, _ = x.shape
    xg = x.reshape(B, T, GROUPS, DIM_G).transpose(2, 0, 1, 3)  # [G,B,T,dim_g]
    levels = jnp.asarray(LEVELS, jnp.float32)
    half_width = jnp.asarray(LEVELS // 2, jnp.float32)
    basis = jnp.asarray(BASIS, jnp.float32)
    outs, all_idx, all_metrics = [], [], []
    for g in range(GROUPS):
        z = xg[g] @ w_in[g] + b_in[g]  # [B,T,L] project_in to codebook space
        quantized_out = jnp.zeros_like(z)
        residual = z
        idx_list, metric_list = [], []
        for q in range(NQ):
            scale = (levels - 1.0) ** (-float(q))
            zq = _bound(residual / scale)
            codes = _round_ste(zq)
            quantized = (codes / half_width) * scale
            codes_hard = jax.lax.stop_gradient(codes)
            idx = jnp.sum((codes_hard + half_width) * basis, axis=-1).astype(jnp.int32)
            residual = residual - jax.lax.stop_gradient(quantized)
            quantized_out = quantized_out + quantized
            idx_list.append(idx)
            counts = jnp.bincount(idx.reshape(-1), length=CODEBOOK_SIZE).astype(jnp.float32)
            probs = counts / float(idx.size)
            entropy = -jnp.sum(jnp.where(probs > 0, probs * jnp.log(probs + 1e-10), 0.0))
            metric_list.append(jnp.exp(entropy))  # codebook perplexity
        out_g = quantized_out @ w_out[g] + b_out[g]
        outs.append(out_g)
        all_idx.append(jnp.stack(idx_list, axis=-1))
        all_metrics.append(jnp.stack(metric_list))
    quantized = jnp.stack(outs, axis=2).reshape(B, T, DIM)
    all_indices = jnp.stack(all_idx, axis=0)  # [G,B,T,NQ]
    metrics = jnp.stack(all_metrics, axis=0)  # [G,NQ] -> flattened per group/quantizer
    commit_loss = jnp.mean((jax.lax.stop_gradient(quantized) - x) ** 2)
    return quantized, all_indices, commit_loss, metrics


def reference(x, w_in, b_in, w_out, b_out):
    quantized, all_indices, commit_loss, metrics = _grfsq_forward(x, w_in, b_in, w_out, b_out)
    return (all_indices, quantized, commit_loss, metrics)

if __name__ == "__main__":
    import jax
    _d = setup_inputs()
    print(jax.jit(kernel)(*tuple(_d.values())))

</pallas_src>

<mosaic_0001>
#map = affine_map<(d0, d1) -> (0, 0)>
module attributes {stable_mosaic.version = 14 : i64} {
  func.func @_hist_body(%arg0: i32, %arg1: i32, %arg2: memref<32x16384xi32, #tpu.memory_space<hbm>>, %arg3: memref<32x16xf32, #tpu.memory_space<hbm>>, %arg4: memref<16384xi32, #tpu.memory_space<vmem>>, %arg5: memref<16x1024xf32, #tpu.memory_space<vmem>>, %arg6: memref<16xf32, #tpu.memory_space<vmem>>) attributes {dimension_semantics = [#tpu.dimension_semantics<core_parallel>, #tpu.dimension_semantics<subcore_parallel>], iteration_bounds = array<i64: 2, 16>, scalar_prefetch = 0 : i64, scratch_operands = 3 : i64, tpu.core_type = #tpu.core_type<sc_vector_subcore>, window_params = [{transform_indices = #map}, {transform_indices = #map}]} {
    %mul3A = arith.constant 2 : i32
    %mul3A_0 = arith.muli %arg1, %mul3A : i32
    %add3A = arith.addi %mul3A_0, %arg0 : i32
    "tpu.region"() ({
      %run_scoped3A = tpu.sem_alloc : memref<!tpu.dma_semaphore, #tpu.memory_space<semaphore_mem>>
      %dma_start3A = arith.constant 0 : i32
      %dma_start3A_28 = tpu.memref_slice %arg2[%add3A, %dma_start3A] : memref<32x16384xi32, #tpu.memory_space<hbm>> -> memref<1x16384xi32, #tpu.memory_space<hbm>>
      %dma_start3A_29 = tpu.memref_squeeze %dma_start3A_28 : memref<1x16384xi32, #tpu.memory_space<hbm>> -> memref<16384xi32, #tpu.memory_space<hbm>>
      %dma_start3A_30 = arith.constant 0 : i32
      %dma_start3A_31 = tpu.memref_slice %arg2[%add3A, %dma_start3A_30] : memref<32x16384xi32, #tpu.memory_space<hbm>> -> memref<1x16384xi32, #tpu.memory_space<hbm>>
      %dma_start3A_32 = tpu.memref_squeeze %dma_start3A_31 : memref<1x16384xi32, #tpu.memory_space<hbm>> -> memref<16384xi32, #tpu.memory_space<hbm>>
      tpu.enqueue_dma source(%dma_start3A_32 : memref<16384xi32, #tpu.memory_space<hbm>>) target(%arg4 : memref<16384xi32, #tpu.memory_space<vmem>>) target_semaphore(%run_scoped3A : memref<!tpu.dma_semaphore, #tpu.memory_space<semaphore_mem>>)
      %dma_wait3A = arith.constant 0 : i32
      %dma_wait3A_33 = tpu.memref_slice %arg2[%add3A, %dma_wait3A] : memref<32x16384xi32, #tpu.memory_space<hbm>> -> memref<1x16384xi32, #tpu.memory_space<hbm>>
      %dma_wait3A_34 = tpu.memref_squeeze %dma_wait3A_33 : memref<1x16384xi32, #tpu.memory_space<hbm>> -> memref<16384xi32, #tpu.memory_space<hbm>>
      %dma_wait3A_35 = arith.constant 0 : i32
      %dma_wait3A_36 = tpu.memref_slice %arg2[%add3A, %dma_wait3A_35] : memref<32x16384xi32, #tpu.memory_space<hbm>> -> memref<1x16384xi32, #tpu.memory_space<hbm>>
      %dma_wait3A_37 = tpu.memref_squeeze %dma_wait3A_36 : memref<1x16384xi32, #tpu.memory_space<hbm>> -> memref<16384xi32, #tpu.memory_space<hbm>>
      tpu.wait_dma2 semaphore(%run_scoped3A : memref<!tpu.dma_semaphore, #tpu.memory_space<semaphore_mem>>) src(%dma_wait3A_37 : memref<16384xi32, #tpu.memory_space<hbm>>) dst(%arg4 : memref<16384xi32, #tpu.memory_space<vmem>>)
      tpu.yield
    }) : () -> ()
    %broadcast_in_dim3A = arith.constant 0.000000e+00 : f32
    %broadcast_in_dim3A_1 = vector.broadcast %broadcast_in_dim3A : f32 to vector<16xf32>
    %broadcast_in_dim3A_2 = arith.constant 1.000000e+00 : f32
    %broadcast_in_dim3A_3 = vector.broadcast %broadcast_in_dim3A_2 : f32 to vector<16xf32>
    %iota3A = tpu.iota {dimensions = array<i32: 0>} : vector<16xi32>
    %scan3A = arith.constant 0 : i32
    %scan3A_4 = arith.constant 0 : i32
    %scan3A_5 = arith.constant 64 : i32
    %scan3A_6 = arith.addi %scan3A_4, %scan3A_5 : i32
    %scan3A_7 = arith.constant 2 : i32
    %scan3A_8 = scf.for %scan3A_28 = %scan3A_4 to %scan3A_6 step %scan3A_7 iter_args(%scan3A_29 = %scan3A) -> (i32)  : i32 {
      %mul3A_30 = arith.constant 16 : i32
      %mul3A_31 = arith.muli %scan3A_28, %mul3A_30 : i32
      %swap3A_32 = arith.constant 0 : i32
      %swap3A_33 = arith.index_cast %swap3A_32 : i32 to index
      %swap3A_34 = arith.index_cast %mul3A_31 : i32 to index
      %swap3A_35 = tpu.vector_load %arg5[%swap3A_33, %swap3A_34] {strides = array<i32>} : memref<16x1024xf32, #tpu.memory_space<vmem>>, vector<16xf32>,
      tpu.vector_store %arg5[%swap3A_33, %swap3A_34], %broadcast_in_dim3A_1 {strides = array<i32>} : memref<16x1024xf32, #tpu.memory_space<vmem>>, vector<16xf32>,
      %mul3A_36 = arith.constant 16 : i32
      %mul3A_37 = arith.muli %scan3A_28, %mul3A_36 : i32
      %swap3A_38 = arith.constant 1 : i32
      %swap3A_39 = arith.index_cast %swap3A_38 : i32 to index
      %swap3A_40 = arith.index_cast %mul3A_37 : i32 to index
      %swap3A_41 = tpu.vector_load %arg5[%swap3A_39, %swap3A_40] {strides = array<i32>} : memref<16x1024xf32, #tpu.memory_space<vmem>>, vector<16xf32>,
      tpu.vector_store %arg5[%swap3A_39, %swap3A_40], %broadcast_in_dim3A_1 {strides = array<i32>} : memref<16x1024xf32, #tpu.memory_space<vmem>>, vector<16xf32>,
      %mul3A_42 = arith.constant 16 : i32
      %mul3A_43 = arith.muli %scan3A_28, %mul3A_42 : i32
      %swap3A_44 = arith.constant 2 : i32
      %swap3A_45 = arith.index_cast %swap3A_44 : i32 to index
      %swap3A_46 = arith.index_cast %mul3A_43 : i32 to index
      %swap3A_47 = tpu.vector_load %arg5[%swap3A_45, %swap3A_46] {strides = array<i32>} : memref<16x1024xf32, #tpu.memory_space<vmem>>, vector<16xf32>,
      tpu.vector_store %arg5[%swap3A_45, %swap3A_46], %broadcast_in_dim3A_1 {strides = array<i32>} : memref<16x1024xf32, #tpu.memory_space<vmem>>, vector<16xf32>,
      %mul3A_48 = arith.constant 16 : i32
      %mul3A_49 = arith.muli %scan3A_28, %mul3A_48 : i32
      %swap3A_50 = arith.constant 3 : i32
      %swap3A_51 = arith.index_cast %swap3A_50 : i32 to index
      %swap3A_52 = arith.index_cast %mul3A_49 : i32 to index
      %swap3A_53 = tpu.vector_load %arg5[%swap3A_51, %swap3A_52] {strides = array<i32>} : memref<16x1024xf32, #tpu.memory_space<vmem>>, vector<16xf32>,
      tpu.vector_store %arg5[%swap3A_51, %swap3A_52], %broadcast_in_dim3A_1 {strides = array<i32>} : memref<16x1024xf32, #tpu.memory_space<vmem>>, vector<16xf32>,
      %mul3A_54 = arith.constant 16 : i32
      %mul3A_55 = arith.muli %scan3A_28, %mul3A_54 : i32
      %swap3A_56 = arith.constant 4 : i32
      %swap3A_57 = arith.index_cast %swap3A_56 : i32 to index
      %swap3A_58 = arith.index_cast %mul3A_55 : i32 to index
      %swap3A_59 = tpu.vector_load %arg5[%swap3A_57, %swap3A_58] {strides = array<i32>} : memref<16x1024xf32, #tpu.memory_space<vmem>>, vector<16xf32>,
      tpu.vector_store %arg5[%swap3A_57, %swap3A_58], %broadcast_in_dim3A_1 {strides = array<i32>} : memref<16x1024xf32, #tpu.memory_space<vmem>>, vector<16xf32>,
      %mul3A_60 = arith.constant 16 : i32
      %mul3A_61 = arith.muli %scan3A_28, %mul3A_60 : i32
      %swap3A_62 = arith.constant 5 : i32
      %swap3A_63 = arith.index_cast %swap3A_62 : i32 to index
      %swap3A_64 = arith.index_cast %mul3A_61 : i32 to index
      %swap3A_65 = tpu.vector_load %arg5[%swap3A_63, %swap3A_64] {strides = array<i32>} : memref<16x1024xf32, #tpu.memory_space<vmem>>, vector<16xf32>,
      tpu.vector_store %arg5[%swap3A_63, %swap3A_64], %broadcast_in_dim3A_1 {strides = array<i32>} : memref<16x1024xf32, #tpu.memory_space<vmem>>, vector<16xf32>,
      %mul3A_66 = arith.constant 16 : i32
      %mul3A_67 = arith.muli %scan3A_28, %mul3A_66 : i32
      %swap3A_68 = arith.constant 6 : i32
      %swap3A_69 = arith.index_cast %swap3A_68 : i32 to index
      %swap3A_70 = arith.index_cast %mul3A_67 : i32 to index
      %swap3A_71 = tpu.vector_load %arg5[%swap3A_69, %swap3A_70] {strides = array<i32>} : memref<16x1024xf32, #tpu.memory_space<vmem>>, vector<16xf32>,
      tpu.vector_store %arg5[%swap3A_69, %swap3A_70], %broadcast_in_dim3A_1 {strides = array<i32>} : memref<16x1024xf32, #tpu.memory_space<vmem>>, vector<16xf32>,
      %mul3A_72 = arith.constant 16 : i32
      %mul3A_73 = arith.muli %scan3A_28, %mul3A_72 : i32
      %swap3A_74 = arith.constant 7 : i32
      %swap3A_75 = arith.index_cast %swap3A_74 : i32 to index
      %swap3A_76 = arith.index_cast %mul3A_73 : i32 to index
      %swap3A_77 = tpu.vector_load %arg5[%swap3A_75, %swap3A_76] {strides = array<i32>} : memref<16x1024xf32, #tpu.memory_space<vmem>>, vector<16xf32>,
      tpu.vector_store %arg5[%swap3A_75, %swap3A_76], %broadcast_in_dim3A_1 {strides = array<i32>} : memref<16x1024xf32, #tpu.memory_space<vmem>>, vector<16xf32>,
      %mul3A_78 = arith.constant 16 : i32
      %mul3A_79 = arith.muli %scan3A_28, %mul3A_78 : i32
      %swap3A_80 = arith.constant 8 : i32
      %swap3A_81 = arith.index_cast %swap3A_80 : i32 to index
      %swap3A_82 = arith.index_cast %mul3A_79 : i32 to index
      %swap3A_83 = tpu.vector_load %arg5[%swap3A_81, %swap3A_82] {strides = array<i32>} : memref<16x1024xf32, #tpu.memory_space<vmem>>, vector<16xf32>,
      tpu.vector_store %arg5[%swap3A_81, %swap3A_82], %broadcast_in_dim3A_1 {strides = array<i32>} : memref<16x1024xf32, #tpu.memory_space<vmem>>, vector<16xf32>,
      %mul3A_84 = arith.constant 16 : i32
      %mul3A_85 = arith.muli %scan3A_28, %mul3A_84 : i32
      %swap3A_86 = arith.constant 9 : i32
      %swap3A_87 = arith.index_cast %swap3A_86 : i32 to index
      %swap3A_88 = arith.index_cast %mul3A_85 : i32 to index
      %swap3A_89 = tpu.vector_load %arg5[%swap3A_87, %swap3A_88] {strides = array<i32>} : memref<16x1024xf32, #tpu.memory_space<vmem>>, vector<16xf32>,
      tpu.vector_store %arg5[%swap3A_87, %swap3A_88], %broadcast_in_dim3A_1 {strides = array<i32>} : memref<16x1024xf32, #tpu.memory_space<vmem>>, vector<16xf32>,
      %mul3A_90 = arith.constant 16 : i32
      %mul3A_91 = arith.muli %scan3A_28, %mul3A_90 : i32
      %swap3A_92 = arith.constant 10 : i32
      %swap3A_93 = arith.index_cast %swap3A_92 : i32 to index
      %swap3A_94 = arith.index_cast %mul3A_91 : i32 to index
      %swap3A_95 = tpu.vector_load %arg5[%swap3A_93, %swap3A_94] {strides = array<i32>} : memref<16x1024xf32, #tpu.memory_space<vmem>>, vector<16xf32>,
      tpu.vector_store %arg5[%swap3A_93, %swap3A_94], %broadcast_in_dim3A_1 {strides = array<i32>} : memref<16x1024xf32, #tpu.memory_space<vmem>>, vector<16xf32>,
      %mul3A_96 = arith.constant 16 : i32
      %mul3A_97 = arith.muli %scan3A_28, %mul3A_96 : i32
      %swap3A_98 = arith.constant 11 : i32
      %swap3A_99 = arith.index_cast %swap3A_98 : i32 to index
      %swap3A_100 = arith.index_cast %mul3A_97 : i32 to index
      %swap3A_101 = tpu.vector_load %arg5[%swap3A_99, %swap3A_100] {strides = array<i32>} : memref<16x1024xf32, #tpu.memory_space<vmem>>, vector<16xf32>,
      tpu.vector_store %arg5[%swap3A_99, %swap3A_100], %broadcast_in_dim3A_1 {strides = array<i32>} : memref<16x1024xf32, #tpu.memory_space<vmem>>, vector<16xf32>,
      %mul3A_102 = arith.constant 16 : i32
      %mul3A_103 = arith.muli %scan3A_28, %mul3A_102 : i32
      %swap3A_104 = arith.constant 12 : i32
      %swap3A_105 = arith.index_cast %swap3A_104 : i32 to index
      %swap3A_106 = arith.index_cast %mul3A_103 : i32 to index
      %swap3A_107 = tpu.vector_load %arg5[%swap3A_105, %swap3A_106] {strides = array<i32>} : memref<16x1024xf32, #tpu.memory_space<vmem>>, vector<16xf32>,
      tpu.vector_store %arg5[%swap3A_105, %swap3A_106], %broadcast_in_dim3A_1 {strides = array<i32>} : memref<16x1024xf32, #tpu.memory_space<vmem>>, vector<16xf32>,
      %mul3A_108 = arith.constant 16 : i32
      %mul3A_109 = arith.muli %scan3A_28, %mul3A_108 : i32
      %swap3A_110 = arith.constant 13 : i32
      %swap3A_111 = arith.index_cast %swap3A_110 : i32 to index
      %swap3A_112 = arith.index_cast %mul3A_109 : i32 to index
      %swap3A_113 = tpu.vector_load %arg5[%swap3A_111, %swap3A_112] {strides = array<i32>} : memref<16x1024xf32, #tpu.memory_space<vmem>>, vector<16xf32>,
      tpu.vector_store %arg5[%swap3A_111, %swap3A_112], %broadcast_in_dim3A_1 {strides = array<i32>} : memref<16x1024xf32, #tpu.memory_space<vmem>>, vector<16xf32>,
      %mul3A_114 = arith.constant 16 : i32
      %mul3A_115 = arith.muli %scan3A_28, %mul3A_114 : i32
      %swap3A_116 = arith.constant 14 : i32
      %swap3A_117 = arith.index_cast %swap3A_116 : i32 to index
      %swap3A_118 = arith.index_cast %mul3A_115 : i32 to index
      %swap3A_119 = tpu.vector_load %arg5[%swap3A_117, %swap3A_118] {strides = array<i32>} : memref<16x1024xf32, #tpu.memory_space<vmem>>, vector<16xf32>,
      tpu.vector_store %arg5[%swap3A_117, %swap3A_118], %broadcast_in_dim3A_1 {strides = array<i32>} : memref<16x1024xf32, #tpu.memory_space<vmem>>, vector<16xf32>,
      %mul3A_120 = arith.constant 16 : i32
      %mul3A_121 = arith.muli %scan3A_28, %mul3A_120 : i32
      %swap3A_122 = arith.constant 15 : i32
      %swap3A_123 = arith.index_cast %swap3A_122 : i32 to index
      %swap3A_124 = arith.index_cast %mul3A_121 : i32 to index
      %swap3A_125 = tpu.vector_load %arg5[%swap3A_123, %swap3A_124] {strides = array<i32>} : memref<16x1024xf32, #tpu.memory_space<vmem>>, vector<16xf32>,
      tpu.vector_store %arg5[%swap3A_123, %swap3A_124], %broadcast_in_dim3A_1 {strides = array<i32>} : memref<16x1024xf32, #tpu.memory_space<vmem>>, vector<16xf32>,
      %scan3A_126 = arith.constant 0 : i32
      %scan3A_127 = arith.constant 1 : i32
      %scan3A_128 = arith.addi %scan3A_28, %scan3A_127 : i32
      %mul3A_129 = arith.constant 16 : i32
      %mul3A_130 = arith.muli %scan3A_128, %mul3A_129 : i32
      %swap3A_131 = arith.constant 0 : i32
      %swap3A_132 = arith.index_cast %swap3A_131 : i32 to index
      %swap3A_133 = arith.index_cast %mul3A_130 : i32 to index
      %swap3A_134 = tpu.vector_load %arg5[%swap3A_132, %swap3A_133] {strides = array<i32>} : memref<16x1024xf32, #tpu.memory_space<vmem>>, vector<16xf32>,
      tpu.vector_store %arg5[%swap3A_132, %swap3A_133], %broadcast_in_dim3A_1 {strides = array<i32>} : memref<16x1024xf32, #tpu.memory_space<vmem>>, vector<16xf32>,
      %mul3A_135 = arith.constant 16 : i32
      %mul3A_136 = arith.muli %scan3A_128, %mul3A_135 : i32
      %swap3A_137 = arith.constant 1 : i32
      %swap3A_138 = arith.index_cast %swap3A_137 : i32 to index
      %swap3A_139 = arith.index_cast %mul3A_136 : i32 to index
      %swap3A_140 = tpu.vector_load %arg5[%swap3A_138, %swap3A_139] {strides = array<i32>} : memref<16x1024xf32, #tpu.memory_space<vmem>>, vector<16xf32>,
      tpu.vector_store %arg5[%swap3A_138, %swap3A_139], %broadcast_in_dim3A_1 {strides = array<i32>} : memref<16x1024xf32, #tpu.memory_space<vmem>>, vector<16xf32>,
      %mul3A_141 = arith.constant 16 : i32
      %mul3A_142 = arith.muli %scan3A_128, %mul3A_141 : i32
      %swap3A_143 = arith.constant 2 : i32
      %swap3A_144 = arith.index_cast %swap3A_143 : i32 to index
      %swap3A_145 = arith.index_cast %mul3A_142 : i32 to index
      %swap3A_146 = tpu.vector_load %arg5[%swap3A_144, %swap3A_145] {strides = array<i32>} : memref<16x1024xf32, #tpu.memory_space<vmem>>, vector<16xf32>,
      tpu.vector_store %arg5[%swap3A_144, %swap3A_145], %broadcast_in_dim3A_1 {strides = array<i32>} : memref<16x1024xf32, #tpu.memory_space<vmem>>, vector<16xf32>,
      %mul3A_147 = arith.constant 16 : i32
      %mul3A_148 = arith.muli %scan3A_128, %mul3A_147 : i32
      %swap3A_149 = arith.constant 3 : i32
      %swap3A_150 = arith.index_cast %swap3A_149 : i32 to index
      %swap3A_151 = arith.index_cast %mul3A_148 : i32 to index
      %swap3A_152 = tpu.vector_load %arg5[%swap3A_150, %swap3A_151] {strides = array<i32>} : memref<16x1024xf32, #tpu.memory_space<vmem>>, vector<16xf32>,
      tpu.vector_store %arg5[%swap3A_150, %swap3A_151], %broadcast_in_dim3A_1 {strides = array<i32>} : memref<16x1024xf32, #tpu.memory_space<vmem>>, vector<16xf32>,
      %mul3A_153 = arith.constant 16 : i32
      %mul3A_154 = arith.muli %scan3A_128, %mul3A_153 : i32
      %swap3A_155 = arith.constant 4 : i32
      %swap3A_156 = arith.index_cast %swap3A_155 : i32 to index
      %swap3A_157 = arith.index_cast %mul3A_154 : i32 to index
      %swap3A_158 = tpu.vector_load %arg5[%swap3A_156, %swap3A_157] {strides = array<i32>} : memref<16x1024xf32, #tpu.memory_space<vmem>>, vector<16xf32>,
      tpu.vector_store %arg5[%swap3A_156, %swap3A_157], %broadcast_in_dim3A_1 {strides = array<i32>} : memref<16x1024xf32, #tpu.memory_space<vmem>>, vector<16xf32>,
      %mul3A_159 = arith.constant 16 : i32
      %mul3A_160 = arith.muli %scan3A_128, %mul3A_159 : i32
      %swap3A_161 = arith.constant 5 : i32
      %swap3A_162 = arith.index_cast %swap3A_161 : i32 to index
      %swap3A_163 = arith.index_cast %mul3A_160 : i32 to index
      %swap3A_164 = tpu.vector_load %arg5[%swap3A_162, %swap3A_163] {strides = array<i32>} : memref<16x1024xf32, #tpu.memory_space<vmem>>, vector<16xf32>,
      tpu.vector_store %arg5[%swap3A_162, %swap3A_163], %broadcast_in_dim3A_1 {strides = array<i32>} : memref<16x1024xf32, #tpu.memory_space<vmem>>, vector<16xf32>,
      %mul3A_165 = arith.constant 16 : i32
      %mul3A_166 = arith.muli %scan3A_128, %mul3A_165 : i32
      %swap3A_167 = arith.constant 6 : i32
      %swap3A_168 = arith.index_cast %swap3A_167 : i32 to index
      %swap3A_169 = arith.index_cast %mul3A_166 : i32 to index
      %swap3A_170 = tpu.vector_load %arg5[%swap3A_168, %swap3A_169] {strides = array<i32>} : memref<16x1024xf32, #tpu.memory_space<vmem>>, vector<16xf32>,
      tpu.vector_store %arg5[%swap3A_168, %swap3A_169], %broadcast_in_dim3A_1 {strides = array<i32>} : memref<16x1024xf32, #tpu.memory_space<vmem>>, vector<16xf32>,
      %mul3A_171 = arith.constant 16 : i32
      %mul3A_172 = arith.muli %scan3A_128, %mul3A_171 : i32
      %swap3A_173 = arith.constant 7 : i32
      %swap3A_174 = arith.index_cast %swap3A_173 : i32 to index
      %swap3A_175 = arith.index_cast %mul3A_172 : i32 to index
      %swap3A_176 = tpu.vector_load %arg5[%swap3A_174, %swap3A_175] {strides = array<i32>} : memref<16x1024xf32, #tpu.memory_space<vmem>>, vector<16xf32>,
      tpu.vector_store %arg5[%swap3A_174, %swap3A_175], %broadcast_in_dim3A_1 {strides = array<i32>} : memref<16x1024xf32, #tpu.memory_space<vmem>>, vector<16xf32>,
      %mul3A_177 = arith.constant 16 : i32
      %mul3A_178 = arith.muli %scan3A_128, %mul3A_177 : i32
      %swap3A_179 = arith.constant 8 : i32
      %swap3A_180 = arith.index_cast %swap3A_179 : i32 to index
      %swap3A_181 = arith.index_cast %mul3A_178 : i32 to index
      %swap3A_182 = tpu.vector_load %arg5[%swap3A_180, %swap3A_181] {strides = array<i32>} : memref<16x1024xf32, #tpu.memory_space<vmem>>, vector<16xf32>,
      tpu.vector_store %arg5[%swap3A_180, %swap3A_181], %broadcast_in_dim3A_1 {strides = array<i32>} : memref<16x1024xf32, #tpu.memory_space<vmem>>, vector<16xf32>,
      %mul3A_183 = arith.constant 16 : i32
      %mul3A_184 = arith.muli %scan3A_128, %mul3A_183 : i32
      %swap3A_185 = arith.constant 9 : i32
      %swap3A_186 = arith.index_cast %swap3A_185 : i32 to index
      %swap3A_187 = arith.index_cast %mul3A_184 : i32 to index
      %swap3A_188 = tpu.vector_load %arg5[%swap3A_186, %swap3A_187] {strides = array<i32>} : memref<16x1024xf32, #tpu.memory_space<vmem>>, vector<16xf32>,
      tpu.vector_store %arg5[%swap3A_186, %swap3A_187], %broadcast_in_dim3A_1 {strides = array<i32>} : memref<16x1024xf32, #tpu.memory_space<vmem>>, vector<16xf32>,
      %mul3A_189 = arith.constant 16 : i32
      %mul3A_190 = arith.muli %scan3A_128, %mul3A_189 : i32
      %swap3A_191 = arith.constant 10 : i32
      %swap3A_192 = arith.index_cast %swap3A_191 : i32 to index
      %swap3A_193 = arith.index_cast %mul3A_190 : i32 to index
      %swap3A_194 = tpu.vector_load %arg5[%swap3A_192, %swap3A_193] {strides = array<i32>} : memref<16x1024xf32, #tpu.memory_space<vmem>>, vector<16xf32>,
      tpu.vector_store %arg5[%swap3A_192, %swap3A_193], %broadcast_in_dim3A_1 {strides = array<i32>} : memref<16x1024xf32, #tpu.memory_space<vmem>>, vector<16xf32>,
      %mul3A_195 = arith.constant 16 : i32
      %mul3A_196 = arith.muli %scan3A_128, %mul3A_195 : i32
      %swap3A_197 = arith.constant 11 : i32
      %swap3A_198 = arith.index_cast %swap3A_197 : i32 to index
      %swap3A_199 = arith.index_cast %mul3A_196 : i32 to index
      %swap3A_200 = tpu.vector_load %arg5[%swap3A_198, %swap3A_199] {strides = array<i32>} : memref<16x1024xf32, #tpu.memory_space<vmem>>, vector<16xf32>,
      tpu.vector_store %arg5[%swap3A_198, %swap3A_199], %broadcast_in_dim3A_1 {strides = array<i32>} : memref<16x1024xf32, #tpu.memory_space<vmem>>, vector<16xf32>,
      %mul3A_201 = arith.constant 16 : i32
      %mul3A_202 = arith.muli %scan3A_128, %mul3A_201 : i32
      %swap3A_203 = arith.constant 12 : i32
      %swap3A_204 = arith.index_cast %swap3A_203 : i32 to index
      %swap3A_205 = arith.index_cast %mul3A_202 : i32 to index
      %swap3A_206 = tpu.vector_load %arg5[%swap3A_204, %swap3A_205] {strides = array<i32>} : memref<16x1024xf32, #tpu.memory_space<vmem>>, vector<16xf32>,
      tpu.vector_store %arg5[%swap3A_204, %swap3A_205], %broadcast_in_dim3A_1 {strides = array<i32>} : memref<16x1024xf32, #tpu.memory_space<vmem>>, vector<16xf32>,
      %mul3A_207 = arith.constant 16 : i32
      %mul3A_208 = arith.muli %scan3A_128, %mul3A_207 : i32
      %swap3A_209 = arith.constant 13 : i32
      %swap3A_210 = arith.index_cast %swap3A_209 : i32 to index
      %swap3A_211 = arith.index_cast %mul3A_208 : i32 to index
      %swap3A_212 = tpu.vector_load %arg5[%swap3A_210, %swap3A_211] {strides = array<i32>} : memref<16x1024xf32, #tpu.memory_space<vmem>>, vector<16xf32>,
      tpu.vector_store %arg5[%swap3A_210, %swap3A_211], %broadcast_in_dim3A_1 {strides = array<i32>} : memref<16x1024xf32, #tpu.memory_space<vmem>>, vector<16xf32>,
      %mul3A_213 = arith.constant 16 : i32
      %mul3A_214 = arith.muli %scan3A_128, %mul3A_213 : i32
      %swap3A_215 = arith.constant 14 : i32
      %swap3A_216 = arith.index_cast %swap3A_215 : i32 to index
      %swap3A_217 = arith.index_cast %mul3A_214 : i32 to index
      %swap3A_218 = tpu.vector_load %arg5[%swap3A_216, %swap3A_217] {strides = array<i32>} : memref<16x1024xf32, #tpu.memory_space<vmem>>, vector<16xf32>,
      tpu.vector_store %arg5[%swap3A_216, %swap3A_217], %broadcast_in_dim3A_1 {strides = array<i32>} : memref<16x1024xf32, #tpu.memory_space<vmem>>, vector<16xf32>,
      %mul3A_219 = arith.constant 16 : i32
      %mul3A_220 = arith.muli %scan3A_128, %mul3A_219 : i32
      %swap3A_221 = arith.constant 15 : i32
      %swap3A_222 = arith.index_cast %swap3A_221 : i32 to index
      %swap3A_223 = arith.index_cast %mul3A_220 : i32 to index
      %swap3A_224 = tpu.vector_load %arg5[%swap3A_222, %swap3A_223] {strides = array<i32>} : memref<16x1024xf32, #tpu.memory_space<vmem>>, vector<16xf32>,
      tpu.vector_store %arg5[%swap3A_222, %swap3A_223], %broadcast_in_dim3A_1 {strides = array<i32>} : memref<16x1024xf32, #tpu.memory_space<vmem>>, vector<16xf32>,
      %scan3A_225 = arith.constant 0 : i32
      scf.yield %scan3A_225 : i32
    }
    %scan3A_9 = arith.constant 64 : i32
    %scan3A_10 = arith.constant 0 : i32
    %scan3A_11 = arith.constant 0 : i32
    %scan3A_12 = arith.constant 1024 : i32
    %scan3A_13 = arith.addi %scan3A_11, %scan3A_12 : i32
    %scan3A_14 = arith.constant 16 : i32
    %scan3A_15 = scf.for %scan3A_28 = %scan3A_11 to %scan3A_13 step %scan3A_14 iter_args(%scan3A_29 = %scan3A_10) -> (i32)  : i32 {
      %mul3A_30 = arith.constant 16 : i32
      %mul3A_31 = arith.muli %scan3A_28, %mul3A_30 : i32
      %get3A = arith.index_cast %mul3A_31 : i32 to index
      %get3A_32 = tpu.vector_load %arg4[%get3A] {strides = array<i32>} : memref<16384xi32, #tpu.memory_space<vmem>>, vector<16xi32>,
      tpu.vector_store_idx %arg5[%iota3A, %get3A_32], %broadcast_in_dim3A_3 {add = true} : memref<16x1024xf32, #tpu.memory_space<vmem>>[vector<16xi32>, vector<16xi32>], vector<16xf32>,
      %scan3A_33 = arith.constant 0 : i32
      %scan3A_34 = arith.constant 1 : i32
      %scan3A_35 = arith.addi %scan3A_28, %scan3A_34 : i32
      %mul3A_36 = arith.constant 16 : i32
      %mul3A_37 = arith.muli %scan3A_35, %mul3A_36 : i32
      %get3A_38 = arith.index_cast %mul3A_37 : i32 to index
      %get3A_39 = tpu.vector_load %arg4[%get3A_38] {strides = array<i32>} : memref<16384xi32, #tpu.memory_space<vmem>>, vector<16xi32>,
      tpu.vector_store_idx %arg5[%iota3A, %get3A_39], %broadcast_in_dim3A_3 {add = true} : memref<16x1024xf32, #tpu.memory_space<vmem>>[vector<16xi32>, vector<16xi32>], vector<16xf32>,
      %scan3A_40 = arith.constant 0 : i32
      %scan3A_41 = arith.constant 2 : i32
      %scan3A_42 = arith.addi %scan3A_28, %scan3A_41 : i32
      %mul3A_43 = arith.constant 16 : i32
      %mul3A_44 = arith.muli %scan3A_42, %mul3A_43 : i32
      %get3A_45 = arith.index_cast %mul3A_44 : i32 to index
      %get3A_46 = tpu.vector_load %arg4[%get3A_45] {strides = array<i32>} : memref<16384xi32, #tpu.memory_space<vmem>>, vector<16xi32>,
      tpu.vector_store_idx %arg5[%iota3A, %get3A_46], %broadcast_in_dim3A_3 {add = true} : memref<16x1024xf32, #tpu.memory_space<vmem>>[vector<16xi32>, vector<16xi32>], vector<16xf32>,
      %scan3A_47 = arith.constant 0 : i32
      %scan3A_48 = arith.constant 3 : i32
      %scan3A_49 = arith.addi %scan3A_28, %scan3A_48 : i32
      %mul3A_50 = arith.constant 16 : i32
      %mul3A_51 = arith.muli %scan3A_49, %mul3A_50 : i32
      %get3A_52 = arith.index_cast %mul3A_51 : i32 to index
      %get3A_53 = tpu.vector_load %arg4[%get3A_52] {strides = array<i32>} : memref<16384xi32, #tpu.memory_space<vmem>>, vector<16xi32>,
      tpu.vector_store_idx %arg5[%iota3A, %get3A_53], %broadcast_in_dim3A_3 {add = true} : memref<16x1024xf32, #tpu.memory_space<vmem>>[vector<16xi32>, vector<16xi32>], vector<16xf32>,
      %scan3A_54 = arith.constant 0 : i32
      %scan3A_55 = arith.constant 4 : i32
      %scan3A_56 = arith.addi %scan3A_28, %scan3A_55 : i32
      %mul3A_57 = arith.constant 16 : i32
      %mul3A_58 = arith.muli %scan3A_56, %mul3A_57 : i32
      %get3A_59 = arith.index_cast %mul3A_58 : i32 to index
      %get3A_60 = tpu.vector_load %arg4[%get3A_59] {strides = array<i32>} : memref<16384xi32, #tpu.memory_space<vmem>>, vector<16xi32>,
      tpu.vector_store_idx %arg5[%iota3A, %get3A_60], %broadcast_in_dim3A_3 {add = true} : memref<16x1024xf32, #tpu.memory_space<vmem>>[vector<16xi32>, vector<16xi32>], vector<16xf32>,
      %scan3A_61 = arith.constant 0 : i32
      %scan3A_62 = arith.constant 5 : i32
      %scan3A_63 = arith.addi %scan3A_28, %scan3A_62 : i32
      %mul3A_64 = arith.constant 16 : i32
      %mul3A_65 = arith.muli %scan3A_63, %mul3A_64 : i32
      %get3A_66 = arith.index_cast %mul3A_65 : i32 to index
      %get3A_67 = tpu.vector_load %arg4[%get3A_66] {strides = array<i32>} : memref<16384xi32, #tpu.memory_space<vmem>>, vector<16xi32>,
      tpu.vector_store_idx %arg5[%iota3A, %get3A_67], %broadcast_in_dim3A_3 {add = true} : memref<16x1024xf32, #tpu.memory_space<vmem>>[vector<16xi32>, vector<16xi32>], vector<16xf32>,
      %scan3A_68 = arith.constant 0 : i32
      %scan3A_69 = arith.constant 6 : i32
      %scan3A_70 = arith.addi %scan3A_28, %scan3A_69 : i32
      %mul3A_71 = arith.constant 16 : i32
      %mul3A_72 = arith.muli %scan3A_70, %mul3A_71 : i32
      %get3A_73 = arith.index_cast %mul3A_72 : i32 to index
      %get3A_74 = tpu.vector_load %arg4[%get3A_73] {strides = array<i32>} : memref<16384xi32, #tpu.memory_space<vmem>>, vector<16xi32>,
      tpu.vector_store_idx %arg5[%iota3A, %get3A_74], %broadcast_in_dim3A_3 {add = true} : memref<16x1024xf32, #tpu.memory_space<vmem>>[vector<16xi32>, vector<16xi32>], vector<16xf32>,
      %scan3A_75 = arith.constant 0 : i32
      %scan3A_76 = arith.constant 7 : i32
      %scan3A_77 = arith.addi %scan3A_28, %scan3A_76 : i32
      %mul3A_78 = arith.constant 16 : i32
      %mul3A_79 = arith.muli %scan3A_77, %mul3A_78 : i32
      %get3A_80 = arith.index_cast %mul3A_79 : i32 to index
      %get3A_81 = tpu.vector_load %arg4[%get3A_80] {strides = array<i32>} : memref<16384xi32, #tpu.memory_space<vmem>>, vector<16xi32>,
      tpu.vector_store_idx %arg5[%iota3A, %get3A_81], %broadcast_in_dim3A_3 {add = true} : memref<16x1024xf32, #tpu.memory_space<vmem>>[vector<16xi32>, vector<16xi32>], vector<16xf32>,
      %scan3A_82 = arith.constant 0 : i32
      %scan3A_83 = arith.constant 8 : i32
      %scan3A_84 = arith.addi %scan3A_28, %scan3A_83 : i32
      %mul3A_85 = arith.constant 16 : i32
      %mul3A_86 = arith.muli %scan3A_84, %mul3A_85 : i32
      %get3A_87 = arith.index_cast %mul3A_86 : i32 to index
      %get3A_88 = tpu.vector_load %arg4[%get3A_87] {strides = array<i32>} : memref<16384xi32, #tpu.memory_space<vmem>>, vector<16xi32>,
      tpu.vector_store_idx %arg5[%iota3A, %get3A_88], %broadcast_in_dim3A_3 {add = true} : memref<16x1024xf32, #tpu.memory_space<vmem>>[vector<16xi32>, vector<16xi32>], vector<16xf32>,
      %scan3A_89 = arith.constant 0 : i32
      %scan3A_90 = arith.constant 9 : i32
      %scan3A_91 = arith.addi %scan3A_28, %scan3A_90 : i32
      %mul3A_92 = arith.constant 16 : i32
      %mul3A_93 = arith.muli %scan3A_91, %mul3A_92 : i32
      %get3A_94 = arith.index_cast %mul3A_93 : i32 to index
      %get3A_95 = tpu.vector_load %arg4[%get3A_94] {strides = array<i32>} : memref<16384xi32, #tpu.memory_space<vmem>>, vector<16xi32>,
      tpu.vector_store_idx %arg5[%iota3A, %get3A_95], %broadcast_in_dim3A_3 {add = true} : memref<16x1024xf32, #tpu.memory_space<vmem>>[vector<16xi32>, vector<16xi32>], vector<16xf32>,
      %scan3A_96 = arith.constant 0 : i32
      %scan3A_97 = arith.constant 10 : i32
      %scan3A_98 = arith.addi %scan3A_28, %scan3A_97 : i32
      %mul3A_99 = arith.constant 16 : i32
      %mul3A_100 = arith.muli %scan3A_98, %mul3A_99 : i32
      %get3A_101 = arith.index_cast %mul3A_100 : i32 to index
      %get3A_102 = tpu.vector_load %arg4[%get3A_101] {strides = array<i32>} : memref<16384xi32, #tpu.memory_space<vmem>>, vector<16xi32>,
      tpu.vector_store_idx %arg5[%iota3A, %get3A_102], %broadcast_in_dim3A_3 {add = true} : memref<16x1024xf32, #tpu.memory_space<vmem>>[vector<16xi32>, vector<16xi32>], vector<16xf32>,
      %scan3A_103 = arith.constant 0 : i32
      %scan3A_104 = arith.constant 11 : i32
      %scan3A_105 = arith.addi %scan3A_28, %scan3A_104 : i32
      %mul3A_106 = arith.constant 16 : i32
      %mul3A_107 = arith.muli %scan3A_105, %mul3A_106 : i32
      %get3A_108 = arith.index_cast %mul3A_107 : i32 to index
      %get3A_109 = tpu.vector_load %arg4[%get3A_108] {strides = array<i32>} : memref<16384xi32, #tpu.memory_space<vmem>>, vector<16xi32>,
      tpu.vector_store_idx %arg5[%iota3A, %get3A_109], %broadcast_in_dim3A_3 {add = true} : memref<16x1024xf32, #tpu.memory_space<vmem>>[vector<16xi32>, vector<16xi32>], vector<16xf32>,
      %scan3A_110 = arith.constant 0 : i32
      %scan3A_111 = arith.constant 12 : i32
      %scan3A_112 = arith.addi %scan3A_28, %scan3A_111 : i32
      %mul3A_113 = arith.constant 16 : i32
      %mul3A_114 = arith.muli %scan3A_112, %mul3A_113 : i32
      %get3A_115 = arith.index_cast %mul3A_114 : i32 to index
      %get3A_116 = tpu.vector_load %arg4[%get3A_115] {strides = array<i32>} : memref<16384xi32, #tpu.memory_space<vmem>>, vector<16xi32>,
      tpu.vector_store_idx %arg5[%iota3A, %get3A_116], %broadcast_in_dim3A_3 {add = true} : memref<16x1024xf32, #tpu.memory_space<vmem>>[vector<16xi32>, vector<16xi32>], vector<16xf32>,
      %scan3A_117 = arith.constant 0 : i32
      %scan3A_118 = arith.constant 13 : i32
      %scan3A_119 = arith.addi %scan3A_28, %scan3A_118 : i32
      %mul3A_120 = arith.constant 16 : i32
      %mul3A_121 = arith.muli %scan3A_119, %mul3A_120 : i32
      %get3A_122 = arith.index_cast %mul3A_121 : i32 to index
      %get3A_123 = tpu.vector_load %arg4[%get3A_122] {strides = array<i32>} : memref<16384xi32, #tpu.memory_space<vmem>>, vector<16xi32>,
      tpu.vector_store_idx %arg5[%iota3A, %get3A_123], %broadcast_in_dim3A_3 {add = true} : memref<16x1024xf32, #tpu.memory_space<vmem>>[vector<16xi32>, vector<16xi32>], vector<16xf32>,
      %scan3A_124 = arith.constant 0 : i32
      %scan3A_125 = arith.constant 14 : i32
      %scan3A_126 = arith.addi %scan3A_28, %scan3A_125 : i32
      %mul3A_127 = arith.constant 16 : i32
      %mul3A_128 = arith.muli %scan3A_126, %mul3A_127 : i32
      %get3A_129 = arith.index_cast %mul3A_128 : i32 to index
      %get3A_130 = tpu.vector_load %arg4[%get3A_129] {strides = array<i32>} : memref<16384xi32, #tpu.memory_space<vmem>>, vector<16xi32>,
      tpu.vector_store_idx %arg5[%iota3A, %get3A_130], %broadcast_in_dim3A_3 {add = true} : memref<16x1024xf32, #tpu.memory_space<vmem>>[vector<16xi32>, vector<16xi32>], vector<16xf32>,
      %scan3A_131 = arith.constant 0 : i32
      %scan3A_132 = arith.constant 15 : i32
      %scan3A_133 = arith.addi %scan3A_28, %scan3A_132 : i32
      %mul3A_134 = arith.constant 16 : i32
      %mul3A_135 = arith.muli %scan3A_133, %mul3A_134 : i32
      %get3A_136 = arith.index_cast %mul3A_135 : i32 to index
      %get3A_137 = tpu.vector_load %arg4[%get3A_136] {strides = array<i32>} : memref<16384xi32, #tpu.memory_space<vmem>>, vector<16xi32>,
      tpu.vector_store_idx %arg5[%iota3A, %get3A_137], %broadcast_in_dim3A_3 {add = true} : memref<16x1024xf32, #tpu.memory_space<vmem>>[vector<16xi32>, vector<16xi32>], vector<16xf32>,
      %scan3A_138 = arith.constant 0 : i32
      scf.yield %scan3A_138 : i32
    }
    %scan3A_16 = arith.constant 1024 : i32
    %scan3A_17 = arith.constant 0 : i32
    %scan3A_18 = arith.constant 64 : i32
    %scan3A_19 = arith.addi %scan3A_17, %scan3A_18 : i32
    %scan3A_20 = arith.constant 2 : i32
    %scan3A_21 = scf.for %scan3A_28 = %scan3A_17 to %scan3A_19 step %scan3A_20 iter_args(%scan3A_29 = %broadcast_in_dim3A_1) -> (vector<16xf32>)  : i32 {
      %mul3A_30 = arith.constant 16 : i32
      %mul3A_31 = arith.muli %scan3A_28, %mul3A_30 : i32
      %get3A = arith.constant 0 : i32
      %get3A_32 = arith.index_cast %get3A : i32 to index
      %get3A_33 = arith.index_cast %mul3A_31 : i32 to index
      %get3A_34 = tpu.vector_load %arg5[%get3A_32, %get3A_33] {strides = array<i32>} : memref<16x1024xf32, #tpu.memory_space<vmem>>, vector<16xf32>,
      %mul3A_35 = arith.constant 16 : i32
      %mul3A_36 = arith.muli %scan3A_28, %mul3A_35 : i32
      %get3A_37 = arith.constant 1 : i32
      %get3A_38 = arith.index_cast %get3A_37 : i32 to index
      %get3A_39 = arith.index_cast %mul3A_36 : i32 to index
      %get3A_40 = tpu.vector_load %arg5[%get3A_38, %get3A_39] {strides = array<i32>} : memref<16x1024xf32, #tpu.memory_space<vmem>>, vector<16xf32>,
      %add3A_41 = arith.addf %get3A_34, %get3A_40 : vector<16xf32>
      %mul3A_42 = arith.constant 16 : i32
      %mul3A_43 = arith.muli %scan3A_28, %mul3A_42 : i32
      %get3A_44 = arith.constant 2 : i32
      %get3A_45 = arith.index_cast %get3A_44 : i32 to index
      %get3A_46 = arith.index_cast %mul3A_43 : i32 to index
      %get3A_47 = tpu.vector_load %arg5[%get3A_45, %get3A_46] {strides = array<i32>} : memref<16x1024xf32, #tpu.memory_space<vmem>>, vector<16xf32>,
      %add3A_48 = arith.addf %add3A_41, %get3A_47 : vector<16xf32>
      %mul3A_49 = arith.constant 16 : i32
      %mul3A_50 = arith.muli %scan3A_28, %mul3A_49 : i32
      %get3A_51 = arith.constant 3 : i32
      %get3A_52 = arith.index_cast %get3A_51 : i32 to index
      %get3A_53 = arith.index_cast %mul3A_50 : i32 to index
      %get3A_54 = tpu.vector_load %arg5[%get3A_52, %get3A_53] {strides = array<i32>} : memref<16x1024xf32, #tpu.memory_space<vmem>>, vector<16xf32>,
      %add3A_55 = arith.addf %add3A_48, %get3A_54 : vector<16xf32>
      %mul3A_56 = arith.constant 16 : i32
      %mul3A_57 = arith.muli %scan3A_28, %mul3A_56 : i32
      %get3A_58 = arith.constant 4 : i32
      %get3A_59 = arith.index_cast %get3A_58 : i32 to index
      %get3A_60 = arith.index_cast %mul3A_57 : i32 to index
      %get3A_61 = tpu.vector_load %arg5[%get3A_59, %get3A_60] {strides = array<i32>} : memref<16x1024xf32, #tpu.memory_space<vmem>>, vector<16xf32>,
      %add3A_62 = arith.addf %add3A_55, %get3A_61 : vector<16xf32>
      %mul3A_63 = arith.constant 16 : i32
      %mul3A_64 = arith.muli %scan3A_28, %mul3A_63 : i32
      %get3A_65 = arith.constant 5 : i32
      %get3A_66 = arith.index_cast %get3A_65 : i32 to index
      %get3A_67 = arith.index_cast %mul3A_64 : i32 to index
      %get3A_68 = tpu.vector_load %arg5[%get3A_66, %get3A_67] {strides = array<i32>} : memref<16x1024xf32, #tpu.memory_space<vmem>>, vector<16xf32>,
      %add3A_69 = arith.addf %add3A_62, %get3A_68 : vector<16xf32>
      %mul3A_70 = arith.constant 16 : i32
      %mul3A_71 = arith.muli %scan3A_28, %mul3A_70 : i32
      %get3A_72 = arith.constant 6 : i32
      %get3A_73 = arith.index_cast %get3A_72 : i32 to index
      %get3A_74 = arith.index_cast %mul3A_71 : i32 to index
      %get3A_75 = tpu.vector_load %arg5[%get3A_73, %get3A_74] {strides = array<i32>} : memref<16x1024xf32, #tpu.memory_space<vmem>>, vector<16xf32>,
      %add3A_76 = arith.addf %add3A_69, %get3A_75 : vector<16xf32>
      %mul3A_77 = arith.constant 16 : i32
      %mul3A_78 = arith.muli %scan3A_28, %mul3A_77 : i32
      %get3A_79 = arith.constant 7 : i32
      %get3A_80 = arith.index_cast %get3A_79 : i32 to index
      %get3A_81 = arith.index_cast %mul3A_78 : i32 to index
      %get3A_82 = tpu.vector_load %arg5[%get3A_80, %get3A_81] {strides = array<i32>} : memref<16x1024xf32, #tpu.memory_space<vmem>>, vector<16xf32>,
      %add3A_83 = arith.addf %add3A_76, %get3A_82 : vector<16xf32>
      %mul3A_84 = arith.constant 16 : i32
      %mul3A_85 = arith.muli %scan3A_28, %mul3A_84 : i32
      %get3A_86 = arith.constant 8 : i32
      %get3A_87 = arith.index_cast %get3A_86 : i32 to index
      %get3A_88 = arith.index_cast %mul3A_85 : i32 to index
      %get3A_89 = tpu.vector_load %arg5[%get3A_87, %get3A_88] {strides = array<i32>} : memref<16x1024xf32, #tpu.memory_space<vmem>>, vector<16xf32>,
      %add3A_90 = arith.addf %add3A_83, %get3A_89 : vector<16xf32>
      %mul3A_91 = arith.constant 16 : i32
      %mul3A_92 = arith.muli %scan3A_28, %mul3A_91 : i32
      %get3A_93 = arith.constant 9 : i32
      %get3A_94 = arith.index_cast %get3A_93 : i32 to index
      %get3A_95 = arith.index_cast %mul3A_92 : i32 to index
      %get3A_96 = tpu.vector_load %arg5[%get3A_94, %get3A_95] {strides = array<i32>} : memref<16x1024xf32, #tpu.memory_space<vmem>>, vector<16xf32>,
      %add3A_97 = arith.addf %add3A_90, %get3A_96 : vector<16xf32>
      %mul3A_98 = arith.constant 16 : i32
      %mul3A_99 = arith.muli %scan3A_28, %mul3A_98 : i32
      %get3A_100 = arith.constant 10 : i32
      %get3A_101 = arith.index_cast %get3A_100 : i32 to index
      %get3A_102 = arith.index_cast %mul3A_99 : i32 to index
      %get3A_103 = tpu.vector_load %arg5[%get3A_101, %get3A_102] {strides = array<i32>} : memref<16x1024xf32, #tpu.memory_space<vmem>>, vector<16xf32>,
      %add3A_104 = arith.addf %add3A_97, %get3A_103 : vector<16xf32>
      %mul3A_105 = arith.constant 16 : i32
      %mul3A_106 = arith.muli %scan3A_28, %mul3A_105 : i32
      %get3A_107 = arith.constant 11 : i32
      %get3A_108 = arith.index_cast %get3A_107 : i32 to index
      %get3A_109 = arith.index_cast %mul3A_106 : i32 to index
      %get3A_110 = tpu.vector_load %arg5[%get3A_108, %get3A_109] {strides = array<i32>} : memref<16x1024xf32, #tpu.memory_space<vmem>>, vector<16xf32>,
      %add3A_111 = arith.addf %add3A_104, %get3A_110 : vector<16xf32>
      %mul3A_112 = arith.constant 16 : i32
      %mul3A_113 = arith.muli %scan3A_28, %mul3A_112 : i32
      %get3A_114 = arith.constant 12 : i32
      %get3A_115 = arith.index_cast %get3A_114 : i32 to index
      %get3A_116 = arith.index_cast %mul3A_113 : i32 to index
      %get3A_117 = tpu.vector_load %arg5[%get3A_115, %get3A_116] {strides = array<i32>} : memref<16x1024xf32, #tpu.memory_space<vmem>>, vector<16xf32>,
      %add3A_118 = arith.addf %add3A_111, %get3A_117 : vector<16xf32>
      %mul3A_119 = arith.constant 16 : i32
      %mul3A_120 = arith.muli %scan3A_28, %mul3A_119 : i32
      %get3A_121 = arith.constant 13 : i32
      %get3A_122 = arith.index_cast %get3A_121 : i32 to index
      %get3A_123 = arith.index_cast %mul3A_120 : i32 to index
      %get3A_124 = tpu.vector_load %arg5[%get3A_122, %get3A_123] {strides = array<i32>} : memref<16x1024xf32, #tpu.memory_space<vmem>>, vector<16xf32>,
      %add3A_125 = arith.addf %add3A_118, %get3A_124 : vector<16xf32>
      %mul3A_126 = arith.constant 16 : i32
      %mul3A_127 = arith.muli %scan3A_28, %mul3A_126 : i32
      %get3A_128 = arith.constant 14 : i32
      %get3A_129 = arith.index_cast %get3A_128 : i32 to index
      %get3A_130 = arith.index_cast %mul3A_127 : i32 to index
      %get3A_131 = tpu.vector_load %arg5[%get3A_129, %get3A_130] {strides = array<i32>} : memref<16x1024xf32, #tpu.memory_space<vmem>>, vector<16xf32>,
      %add3A_132 = arith.addf %add3A_125, %get3A_131 : vector<16xf32>
      %mul3A_133 = arith.constant 16 : i32
      %mul3A_134 = arith.muli %scan3A_28, %mul3A_133 : i32
      %get3A_135 = arith.constant 15 : i32
      %get3A_136 = arith.index_cast %get3A_135 : i32 to index
      %get3A_137 = arith.index_cast %mul3A_134 : i32 to index
      %get3A_138 = tpu.vector_load %arg5[%get3A_136, %get3A_137] {strides = array<i32>} : memref<16x1024xf32, #tpu.memory_space<vmem>>, vector<16xf32>,
      %add3A_139 = arith.addf %add3A_132, %get3A_138 : vector<16xf32>
      %mul3A_140 = arith.constant 6.10351563E-5 : f32
      %mul3A_141 = vector.broadcast %mul3A_140 : f32 to vector<16xf32>
      %mul3A_142 = arith.mulf %add3A_139, %mul3A_141 : vector<16xf32>
      %gt3A = arith.constant 0.000000e+00 : f32
      %gt3A_143 = vector.broadcast %gt3A : f32 to vector<16xf32>
      %gt3A_144 = arith.cmpf ogt, %mul3A_142, %gt3A_143 : vector<16xf32>
      %add3A_145 = arith.constant 1.000000e-10 : f32
      %add3A_146 = vector.broadcast %add3A_145 : f32 to vector<16xf32>
      %add3A_147 = arith.addf %mul3A_142, %add3A_146 : vector<16xf32>
      %bitcast_convert_type3A = tpu.bitcast %add3A_147 : vector<16xf32> -> vector<16xi32>
      %shift_right_arithmetic3A = arith.constant 23 : i32
      %shift_right_arithmetic3A_148 = vector.broadcast %shift_right_arithmetic3A : i32 to vector<16xi32>
      %shift_right_arithmetic3A_149 = arith.shrsi %bitcast_convert_type3A, %shift_right_arithmetic3A_148 : vector<16xi32>
      %and3A = arith.constant 255 : i32
      %and3A_150 = vector.broadcast %and3A : i32 to vector<16xi32>
      %and3A_151 = arith.andi %shift_right_arithmetic3A_149, %and3A_150 : vector<16xi32>
      %sub3A = arith.constant 127 : i32
      %sub3A_152 = vector.broadcast %sub3A : i32 to vector<16xi32>
      %sub3A_153 = arith.subi %and3A_151, %sub3A_152 : vector<16xi32>
      %and3A_154 = arith.constant 8388607 : i32
      %and3A_155 = vector.broadcast %and3A_154 : i32 to vector<16xi32>
      %and3A_156 = arith.andi %bitcast_convert_type3A, %and3A_155 : vector<16xi32>
      %or3A = arith.constant 1065353216 : i32
      %or3A_157 = vector.broadcast %or3A : i32 to vector<16xi32>
      %or3A_158 = arith.ori %and3A_156, %or3A_157 : vector<16xi32>
      %bitcast_convert_type3A_159 = tpu.bitcast %or3A_158 : vector<16xi32> -> vector<16xf32>
      %sub3A_160 = arith.constant 1.000000e+00 : f32
      %sub3A_161 = vector.broadcast %sub3A_160 : f32 to vector<16xf32>
      %sub3A_162 = arith.subf %bitcast_convert_type3A_159, %sub3A_161 : vector<16xf32>
      %add3A_163 = arith.constant 1.000000e+00 : f32
      %add3A_164 = vector.broadcast %add3A_163 : f32 to vector<16xf32>
      %add3A_165 = arith.addf %bitcast_convert_type3A_159, %add3A_164 : vector<16xf32>
      %div3A = arith.divf %sub3A_162, %add3A_165 : vector<16xf32>
      %mul3A_166 = arith.mulf %div3A, %div3A : vector<16xf32>
      %mul3A_167 = arith.constant 2.000000e+00 : f32
      %mul3A_168 = vector.broadcast %mul3A_167 : f32 to vector<16xf32>
      %mul3A_169 = arith.mulf %mul3A_168, %div3A : vector<16xf32>
      %mul3A_170 = arith.constant 0.142857149 : f32
      %mul3A_171 = vector.broadcast %mul3A_170 : f32 to vector<16xf32>
      %mul3A_172 = arith.mulf %mul3A_166, %mul3A_171 : vector<16xf32>
      %add3A_173 = arith.constant 2.000000e-01 : f32
      %add3A_174 = vector.broadcast %add3A_173 : f32 to vector<16xf32>
      %add3A_175 = arith.addf %add3A_174, %mul3A_172 : vector<16xf32>
      %mul3A_176 = arith.mulf %mul3A_166, %add3A_175 : vector<16xf32>
      %add3A_177 = arith.constant 0.333333343 : f32
      %add3A_178 = vector.broadcast %add3A_177 : f32 to vector<16xf32>
      %add3A_179 = arith.addf %add3A_178, %mul3A_176 : vector<16xf32>
      %mul3A_180 = arith.mulf %mul3A_166, %add3A_179 : vector<16xf32>
      %add3A_181 = arith.constant 1.000000e+00 : f32
      %add3A_182 = vector.broadcast %add3A_181 : f32 to vector<16xf32>
      %add3A_183 = arith.addf %add3A_182, %mul3A_180 : vector<16xf32>
      %mul3A_184 = arith.mulf %mul3A_169, %add3A_183 : vector<16xf32>
      %convert_element_type3A = arith.sitofp %sub3A_153 : vector<16xi32> to vector<16xf32>
      %mul3A_185 = arith.constant 0.693147182 : f32
      %mul3A_186 = vector.broadcast %mul3A_185 : f32 to vector<16xf32>
      %mul3A_187 = arith.mulf %convert_element_type3A, %mul3A_186 : vector<16xf32>
      %add3A_188 = arith.addf %mul3A_187, %mul3A_184 : vector<16xf32>
      %mul3A_189 = arith.mulf %mul3A_142, %add3A_188 : vector<16xf32>
      %jit3A = arith.constant 0.000000e+00 : f32
      %broadcast_in_dim3A_190 = vector.broadcast %jit3A : f32 to vector<16xf32>
      %select_n3A = arith.select %gt3A_144, %mul3A_189, %broadcast_in_dim3A_190 : vector<16xi1>, vector<16xf32>
      %sub3A_191 = arith.subf %scan3A_29, %select_n3A : vector<16xf32>
      %scan3A_192 = arith.constant 1 : i32
      %scan3A_193 = arith.addi %scan3A_28, %scan3A_192 : i32
      %mul3A_194 = arith.constant 16 : i32
      %mul3A_195 = arith.muli %scan3A_193, %mul3A_194 : i32
      %get3A_196 = arith.constant 0 : i32
      %get3A_197 = arith.index_cast %get3A_196 : i32 to index
      %get3A_198 = arith.index_cast %mul3A_195 : i32 to index
      %get3A_199 = tpu.vector_load %arg5[%get3A_197, %get3A_198] {strides = array<i32>} : memref<16x1024xf32, #tpu.memory_space<vmem>>, vector<16xf32>,
      %mul3A_200 = arith.constant 16 : i32
      %mul3A_201 = arith.muli %scan3A_193, %mul3A_200 : i32
      %get3A_202 = arith.constant 1 : i32
      %get3A_203 = arith.index_cast %get3A_202 : i32 to index
      %get3A_204 = arith.index_cast %mul3A_201 : i32 to index
      %get3A_205 = tpu.vector_load %arg5[%get3A_203, %get3A_204] {strides = array<i32>} : memref<16x1024xf32, #tpu.memory_space<vmem>>, vector<16xf32>,
      %add3A_206 = arith.addf %get3A_199, %get3A_205 : vector<16xf32>
      %mul3A_207 = arith.constant 16 : i32
      %mul3A_208 = arith.muli %scan3A_193, %mul3A_207 : i32
      %get3A_209 = arith.constant 2 : i32
      %get3A_210 = arith.index_cast %get3A_209 : i32 to index
      %get3A_211 = arith.index_cast %mul3A_208 : i32 to index
      %get3A_212 = tpu.vector_load %arg5[%get3A_210, %get3A_211] {strides = array<i32>} : memref<16x1024xf32, #tpu.memory_space<vmem>>, vector<16xf32>,
      %add3A_213 = arith.addf %add3A_206, %get3A_212 : vector<16xf32>
      %mul3A_214 = arith.constant 16 : i32
      %mul3A_215 = arith.muli %scan3A_193, %mul3A_214 : i32
      %get3A_216 = arith.constant 3 : i32
      %get3A_217 = arith.index_cast %get3A_216 : i32 to index
      %get3A_218 = arith.index_cast %mul3A_215 : i32 to index
      %get3A_219 = tpu.vector_load %arg5[%get3A_217, %get3A_218] {strides = array<i32>} : memref<16x1024xf32, #tpu.memory_space<vmem>>, vector<16xf32>,
      %add3A_220 = arith.addf %add3A_213, %get3A_219 : vector<16xf32>
      %mul3A_221 = arith.constant 16 : i32
      %mul3A_222 = arith.muli %scan3A_193, %mul3A_221 : i32
      %get3A_223 = arith.constant 4 : i32
      %get3A_224 = arith.index_cast %get3A_223 : i32 to index
      %get3A_225 = arith.index_cast %mul3A_222 : i32 to index
      %get3A_226 = tpu.vector_load %arg5[%get3A_224, %get3A_225] {strides = array<i32>} : memref<16x1024xf32, #tpu.memory_space<vmem>>, vector<16xf32>,
      %add3A_227 = arith.addf %add3A_220, %get3A_226 : vector<16xf32>
      %mul3A_228 = arith.constant 16 : i32
      %mul3A_229 = arith.muli %scan3A_193, %mul3A_228 : i32
      %get3A_230 = arith.constant 5 : i32
      %get3A_231 = arith.index_cast %get3A_230 : i32 to index
      %get3A_232 = arith.index_cast %mul3A_229 : i32 to index
      %get3A_233 = tpu.vector_load %arg5[%get3A_231, %get3A_232] {strides = array<i32>} : memref<16x1024xf32, #tpu.memory_space<vmem>>, vector<16xf32>,
      %add3A_234 = arith.addf %add3A_227, %get3A_233 : vector<16xf32>
      %mul3A_235 = arith.constant 16 : i32
      %mul3A_236 = arith.muli %scan3A_193, %mul3A_235 : i32
      %get3A_237 = arith.constant 6 : i32
      %get3A_238 = arith.index_cast %get3A_237 : i32 to index
      %get3A_239 = arith.index_cast %mul3A_236 : i32 to index
      %get3A_240 = tpu.vector_load %arg5[%get3A_238, %get3A_239] {strides = array<i32>} : memref<16x1024xf32, #tpu.memory_space<vmem>>, vector<16xf32>,
      %add3A_241 = arith.addf %add3A_234, %get3A_240 : vector<16xf32>
      %mul3A_242 = arith.constant 16 : i32
      %mul3A_243 = arith.muli %scan3A_193, %mul3A_242 : i32
      %get3A_244 = arith.constant 7 : i32
      %get3A_245 = arith.index_cast %get3A_244 : i32 to index
      %get3A_246 = arith.index_cast %mul3A_243 : i32 to index
      %get3A_247 = tpu.vector_load %arg5[%get3A_245, %get3A_246] {strides = array<i32>} : memref<16x1024xf32, #tpu.memory_space<vmem>>, vector<16xf32>,
      %add3A_248 = arith.addf %add3A_241, %get3A_247 : vector<16xf32>
      %mul3A_249 = arith.constant 16 : i32
      %mul3A_250 = arith.muli %scan3A_193, %mul3A_249 : i32
      %get3A_251 = arith.constant 8 : i32
      %get3A_252 = arith.index_cast %get3A_251 : i32 to index
      %get3A_253 = arith.index_cast %mul3A_250 : i32 to index
      %get3A_254 = tpu.vector_load %arg5[%get3A_252, %get3A_253] {strides = array<i32>} : memref<16x1024xf32, #tpu.memory_space<vmem>>, vector<16xf32>,
      %add3A_255 = arith.addf %add3A_248, %get3A_254 : vector<16xf32>
      %mul3A_256 = arith.constant 16 : i32
      %mul3A_257 = arith.muli %scan3A_193, %mul3A_256 : i32
      %get3A_258 = arith.constant 9 : i32
      %get3A_259 = arith.index_cast %get3A_258 : i32 to index
      %get3A_260 = arith.index_cast %mul3A_257 : i32 to index
      %get3A_261 = tpu.vector_load %arg5[%get3A_259, %get3A_260] {strides = array<i32>} : memref<16x1024xf32, #tpu.memory_space<vmem>>, vector<16xf32>,
      %add3A_262 = arith.addf %add3A_255, %get3A_261 : vector<16xf32>
      %mul3A_263 = arith.constant 16 : i32
      %mul3A_264 = arith.muli %scan3A_193, %mul3A_263 : i32
      %get3A_265 = arith.constant 10 : i32
      %get3A_266 = arith.index_cast %get3A_265 : i32 to index
      %get3A_267 = arith.index_cast %mul3A_264 : i32 to index
      %get3A_268 = tpu.vector_load %arg5[%get3A_266, %get3A_267] {strides = array<i32>} : memref<16x1024xf32, #tpu.memory_space<vmem>>, vector<16xf32>,
      %add3A_269 = arith.addf %add3A_262, %get3A_268 : vector<16xf32>
      %mul3A_270 = arith.constant 16 : i32
      %mul3A_271 = arith.muli %scan3A_193, %mul3A_270 : i32
      %get3A_272 = arith.constant 11 : i32
      %get3A_273 = arith.index_cast %get3A_272 : i32 to index
      %get3A_274 = arith.index_cast %mul3A_271 : i32 to index
      %get3A_275 = tpu.vector_load %arg5[%get3A_273, %get3A_274] {strides = array<i32>} : memref<16x1024xf32, #tpu.memory_space<vmem>>, vector<16xf32>,
      %add3A_276 = arith.addf %add3A_269, %get3A_275 : vector<16xf32>
      %mul3A_277 = arith.constant 16 : i32
      %mul3A_278 = arith.muli %scan3A_193, %mul3A_277 : i32
      %get3A_279 = arith.constant 12 : i32
      %get3A_280 = arith.index_cast %get3A_279 : i32 to index
      %get3A_281 = arith.index_cast %mul3A_278 : i32 to index
      %get3A_282 = tpu.vector_load %arg5[%get3A_280, %get3A_281] {strides = array<i32>} : memref<16x1024xf32, #tpu.memory_space<vmem>>, vector<16xf32>,
      %add3A_283 = arith.addf %add3A_276, %get3A_282 : vector<16xf32>
      %mul3A_284 = arith.constant 16 : i32
      %mul3A_285 = arith.muli %scan3A_193, %mul3A_284 : i32
      %get3A_286 = arith.constant 13 : i32
      %get3A_287 = arith.index_cast %get3A_286 : i32 to index
      %get3A_288 = arith.index_cast %mul3A_285 : i32 to index
      %get3A_289 = tpu.vector_load %arg5[%get3A_287, %get3A_288] {strides = array<i32>} : memref<16x1024xf32, #tpu.memory_space<vmem>>, vector<16xf32>,
      %add3A_290 = arith.addf %add3A_283, %get3A_289 : vector<16xf32>
      %mul3A_291 = arith.constant 16 : i32
      %mul3A_292 = arith.muli %scan3A_193, %mul3A_291 : i32
      %get3A_293 = arith.constant 14 : i32
      %get3A_294 = arith.index_cast %get3A_293 : i32 to index
      %get3A_295 = arith.index_cast %mul3A_292 : i32 to index
      %get3A_296 = tpu.vector_load %arg5[%get3A_294, %get3A_295] {strides = array<i32>} : memref<16x1024xf32, #tpu.memory_space<vmem>>, vector<16xf32>,
      %add3A_297 = arith.addf %add3A_290, %get3A_296 : vector<16xf32>
      %mul3A_298 = arith.constant 16 : i32
      %mul3A_299 = arith.muli %scan3A_193, %mul3A_298 : i32
      %get3A_300 = arith.constant 15 : i32
      %get3A_301 = arith.index_cast %get3A_300 : i32 to index
      %get3A_302 = arith.index_cast %mul3A_299 : i32 to index
      %get3A_303 = tpu.vector_load %arg5[%get3A_301, %get3A_302] {strides = array<i32>} : memref<16x1024xf32, #tpu.memory_space<vmem>>, vector<16xf32>,
      %add3A_304 = arith.addf %add3A_297, %get3A_303 : vector<16xf32>
      %mul3A_305 = arith.constant 6.10351563E-5 : f32
      %mul3A_306 = vector.broadcast %mul3A_305 : f32 to vector<16xf32>
      %mul3A_307 = arith.mulf %add3A_304, %mul3A_306 : vector<16xf32>
      %gt3A_308 = arith.constant 0.000000e+00 : f32
      %gt3A_309 = vector.broadcast %gt3A_308 : f32 to vector<16xf32>
      %gt3A_310 = arith.cmpf ogt, %mul3A_307, %gt3A_309 : vector<16xf32>
      %add3A_311 = arith.constant 1.000000e-10 : f32
      %add3A_312 = vector.broadcast %add3A_311 : f32 to vector<16xf32>
      %add3A_313 = arith.addf %mul3A_307, %add3A_312 : vector<16xf32>
      %bitcast_convert_type3A_314 = tpu.bitcast %add3A_313 : vector<16xf32> -> vector<16xi32>
      %shift_right_arithmetic3A_315 = arith.constant 23 : i32
      %shift_right_arithmetic3A_316 = vector.broadcast %shift_right_arithmetic3A_315 : i32 to vector<16xi32>
      %shift_right_arithmetic3A_317 = arith.shrsi %bitcast_convert_type3A_314, %shift_right_arithmetic3A_316 : vector<16xi32>
      %and3A_318 = arith.constant 255 : i32
      %and3A_319 = vector.broadcast %and3A_318 : i32 to vector<16xi32>
      %and3A_320 = arith.andi %shift_right_arithmetic3A_317, %and3A_319 : vector<16xi32>
      %sub3A_321 = arith.constant 127 : i32
      %sub3A_322 = vector.broadcast %sub3A_321 : i32 to vector<16xi32>
      %sub3A_323 = arith.subi %and3A_320, %sub3A_322 : vector<16xi32>
      %and3A_324 = arith.constant 8388607 : i32
      %and3A_325 = vector.broadcast %and3A_324 : i32 to vector<16xi32>
      %and3A_326 = arith.andi %bitcast_convert_type3A_314, %and3A_325 : vector<16xi32>
      %or3A_327 = arith.constant 1065353216 : i32
      %or3A_328 = vector.broadcast %or3A_327 : i32 to vector<16xi32>
      %or3A_329 = arith.ori %and3A_326, %or3A_328 : vector<16xi32>
      %bitcast_convert_type3A_330 = tpu.bitcast %or3A_329 : vector<16xi32> -> vector<16xf32>
      %sub3A_331 = arith.constant 1.000000e+00 : f32
      %sub3A_332 = vector.broadcast %sub3A_331 : f32 to vector<16xf32>
      %sub3A_333 = arith.subf %bitcast_convert_type3A_330, %sub3A_332 : vector<16xf32>
      %add3A_334 = arith.constant 1.000000e+00 : f32
      %add3A_335 = vector.broadcast %add3A_334 : f32 to vector<16xf32>
      %add3A_336 = arith.addf %bitcast_convert_type3A_330, %add3A_335 : vector<16xf32>
      %div3A_337 = arith.divf %sub3A_333, %add3A_336 : vector<16xf32>
      %mul3A_338 = arith.mulf %div3A_337, %div3A_337 : vector<16xf32>
      %mul3A_339 = arith.constant 2.000000e+00 : f32
      %mul3A_340 = vector.broadcast %mul3A_339 : f32 to vector<16xf32>
      %mul3A_341 = arith.mulf %mul3A_340, %div3A_337 : vector<16xf32>
      %mul3A_342 = arith.constant 0.142857149 : f32
      %mul3A_343 = vector.broadcast %mul3A_342 : f32 to vector<16xf32>
      %mul3A_344 = arith.mulf %mul3A_338, %mul3A_343 : vector<16xf32>
      %add3A_345 = arith.constant 2.000000e-01 : f32
      %add3A_346 = vector.broadcast %add3A_345 : f32 to vector<16xf32>
      %add3A_347 = arith.addf %add3A_346, %mul3A_344 : vector<16xf32>
      %mul3A_348 = arith.mulf %mul3A_338, %add3A_347 : vector<16xf32>
      %add3A_349 = arith.constant 0.333333343 : f32
      %add3A_350 = vector.broadcast %add3A_349 : f32 to vector<16xf32>
      %add3A_351 = arith.addf %add3A_350, %mul3A_348 : vector<16xf32>
      %mul3A_352 = arith.mulf %mul3A_338, %add3A_351 : vector<16xf32>
      %add3A_353 = arith.constant 1.000000e+00 : f32
      %add3A_354 = vector.broadcast %add3A_353 : f32 to vector<16xf32>
      %add3A_355 = arith.addf %add3A_354, %mul3A_352 : vector<16xf32>
      %mul3A_356 = arith.mulf %mul3A_341, %add3A_355 : vector<16xf32>
      %convert_element_type3A_357 = arith.sitofp %sub3A_323 : vector<16xi32> to vector<16xf32>
      %mul3A_358 = arith.constant 0.693147182 : f32
      %mul3A_359 = vector.broadcast %mul3A_358 : f32 to vector<16xf32>
      %mul3A_360 = arith.mulf %convert_element_type3A_357, %mul3A_359 : vector<16xf32>
      %add3A_361 = arith.addf %mul3A_360, %mul3A_356 : vector<16xf32>
      %mul3A_362 = arith.mulf %mul3A_307, %add3A_361 : vector<16xf32>
      %jit3A_363 = arith.constant 0.000000e+00 : f32
      %broadcast_in_dim3A_364 = vector.broadcast %jit3A_363 : f32 to vector<16xf32>
      %select_n3A_365 = arith.select %gt3A_310, %mul3A_362, %broadcast_in_dim3A_364 : vector<16xi1>, vector<16xf32>
      %sub3A_366 = arith.subf %sub3A_191, %select_n3A_365 : vector<16xf32>
      scf.yield %sub3A_366 : vector<16xf32>
    }
    %scan3A_22 = arith.constant 64 : i32
    %reduce_sum3A = arith.constant true
    %reduce_sum3A_23 = vector.broadcast %reduce_sum3A : i1 to vector<16xi1>
    %reduce_sum3A_24 = tpu.scan <sum>, %scan3A_21 masked %reduce_sum3A_23 : vector<16xf32>, vector<16xi1> -> vector<16xf32>
    %reduce_sum3A_25 = vector.extract %reduce_sum3A_24[15] : f32 from vector<16xf32>
    %broadcast_in_dim3A_26 = vector.broadcast %reduce_sum3A_25 : f32 to vector<16xf32>
    %exp3A = math.exp %broadcast_in_dim3A_26 : vector<16xf32>
    %swap3A = arith.constant 0 : index
    %swap3A_27 = tpu.vector_load %arg6[%swap3A] {strides = array<i32>} : memref<16xf32, #tpu.memory_space<vmem>>, vector<16xf32>,
    tpu.vector_store %arg6[%swap3A], %exp3A {strides = array<i32>} : memref<16xf32, #tpu.memory_space<vmem>>, vector<16xf32>,
    "tpu.region"() ({
      %run_scoped3A = tpu.sem_alloc : memref<!tpu.dma_semaphore, #tpu.memory_space<semaphore_mem>>
      %dma_start3A = arith.constant 0 : i32
      %dma_start3A_28 = tpu.memref_slice %arg3[%add3A, %dma_start3A] : memref<32x16xf32, #tpu.memory_space<hbm>> -> memref<1x16xf32, #tpu.memory_space<hbm>>
      %dma_start3A_29 = tpu.memref_squeeze %dma_start3A_28 : memref<1x16xf32, #tpu.memory_space<hbm>> -> memref<16xf32, #tpu.memory_space<hbm>>
      %dma_start3A_30 = arith.constant 0 : i32
      %dma_start3A_31 = tpu.memref_slice %arg3[%add3A, %dma_start3A_30] : memref<32x16xf32, #tpu.memory_space<hbm>> -> memref<1x16xf32, #tpu.memory_space<hbm>>
      %dma_start3A_32 = tpu.memref_squeeze %dma_start3A_31 : memref<1x16xf32, #tpu.memory_space<hbm>> -> memref<16xf32, #tpu.memory_space<hbm>>
      tpu.enqueue_dma source(%arg6 : memref<16xf32, #tpu.memory_space<vmem>>) target(%dma_start3A_32 : memref<16xf32, #tpu.memory_space<hbm>>) target_semaphore(%run_scoped3A : memref<!tpu.dma_semaphore, #tpu.memory_space<semaphore_mem>>)
      %dma_wait3A = arith.constant 0 : i32
      %dma_wait3A_33 = tpu.memref_slice %arg3[%add3A, %dma_wait3A] : memref<32x16xf32, #tpu.memory_space<hbm>> -> memref<1x16xf32, #tpu.memory_space<hbm>>
      %dma_wait3A_34 = tpu.memref_squeeze %dma_wait3A_33 : memref<1x16xf32, #tpu.memory_space<hbm>> -> memref<16xf32, #tpu.memory_space<hbm>>
      %dma_wait3A_35 = arith.constant 0 : i32
      %dma_wait3A_36 = tpu.memref_slice %arg3[%add3A, %dma_wait3A_35] : memref<32x16xf32, #tpu.memory_space<hbm>> -> memref<1x16xf32, #tpu.memory_space<hbm>>
      %dma_wait3A_37 = tpu.memref_squeeze %dma_wait3A_36 : memref<1x16xf32, #tpu.memory_space<hbm>> -> memref<16xf32, #tpu.memory_space<hbm>>
      tpu.wait_dma2 semaphore(%run_scoped3A : memref<!tpu.dma_semaphore, #tpu.memory_space<semaphore_mem>>) src(%arg6 : memref<16xf32, #tpu.memory_space<vmem>>) dst(%dma_wait3A_37 : memref<16xf32, #tpu.memory_space<hbm>>)
      tpu.yield
    }) : () -> ()
    return
  }
}

module attributes {stable_mosaic.version = 14 : i64} {
  func.func @_fsq_body(%arg0: i32, %arg1: memref<1024x768xf32, #tpu.memory_space<vmem>>, %arg2: memref<768x16xf32, #tpu.memory_space<vmem>>, %arg3: memref<16x768xf32, #tpu.memory_space<vmem>>, %arg4: memref<16x1xf32, #tpu.memory_space<vmem>>, %arg5: memref<1x768xf32, #tpu.memory_space<vmem>>, %arg6: memref<16x8xf32, #tpu.memory_space<vmem>>, %arg7: memref<16x8xf32, #tpu.memory_space<vmem>>, %arg8: memref<16x4xf32, #tpu.memory_space<vmem>>, %arg9: memref<1x1024xf32, #tpu.memory_space<vmem>>, %arg10: memref<4x8x1024xi32, #tpu.memory_space<vmem>>, %arg11: memref<1024x768xf32, #tpu.memory_space<vmem>>, %arg12: memref<1x1xf32, #tpu.memory_space<vmem>>, %arg13: memref<1x768xf32, #tpu.memory_space<vmem>>) attributes {dimension_semantics = [#tpu.dimension_semantics<arbitrary>], iteration_bounds = array<i64: 16>, scalar_prefetch = 0 : i64, scratch_operands = 1 : i64, tpu.core_type = #tpu.core_type<tc>, window_params = [{transform_indices = @transform_0, window_bounds = array<i64: 1024, 768>}, {pipeline_mode = #tpu.pipeline_mode<synchronous>, transform_indices = @transform_1, window_bounds = array<i64: 768, 16>}, {pipeline_mode = #tpu.pipeline_mode<synchronous>, transform_indices = @transform_2, window_bounds = array<i64: 16, 768>}, {pipeline_mode = #tpu.pipeline_mode<synchronous>, transform_indices = @transform_3, window_bounds = array<i64: 16, 1>}, {pipeline_mode = #tpu.pipeline_mode<synchronous>, transform_indices = @transform_4, window_bounds = array<i64: 1, 768>}, {pipeline_mode = #tpu.pipeline_mode<synchronous>, transform_indices = @transform_5, window_bounds = array<i64: 16, 8>}, {pipeline_mode = #tpu.pipeline_mode<synchronous>, transform_indices = @transform_6, window_bounds = array<i64: 16, 8>}, {pipeline_mode = #tpu.pipeline_mode<synchronous>, transform_indices = @transform_7, window_bounds = array<i64: 16, 4>}, {pipeline_mode = #tpu.pipeline_mode<synchronous>, transform_indices = @transform_8, window_bounds = array<i64: 1, 1024>}, {transform_indices = @transform_9, window_bounds = array<i64: 4, 8, 1024>}, {transform_indices = @transform_10, window_bounds = array<i64: 1024, 768>}, {pipeline_mode = #tpu.pipeline_mode<synchronous>, transform_indices = @transform_11, window_bounds = array<i64: 1, 1>}]} {
    %eq3A = arith.constant 0 : i32
    %eq3A_0 = arith.cmpi eq, %arg0, %eq3A : i32
    %convert_element_type3A = arith.extui %eq3A_0 : i1 to i32
    %cond3A = arith.constant 0 : i32
    %cond3A_1 = arith.cmpi ne, %convert_element_type3A, %cond3A : i32
    scf.if %cond3A_1 {
      %broadcast_in_dim3A_456 = arith.constant 0.000000e+00 : f32
      %broadcast_in_dim3A_457 = vector.broadcast %broadcast_in_dim3A_456 : f32 to vector<1x768xf32>
      %swap3A_458 = arith.constant 0 : index
      %swap3A_459 = arith.constant 0 : index
      %swap3A_460 = vector.load %arg13[%swap3A_458, %swap3A_459] : memref<1x768xf32, #tpu.memory_space<vmem>>, vector<1x768xf32>
      tpu.vector_store %arg13[%swap3A_458, %swap3A_459], %broadcast_in_dim3A_457 {strides = array<i32>} : memref<1x768xf32, #tpu.memory_space<vmem>>, vector<1x768xf32>,
    } else {
    }
    %get3A = arith.constant 0 : index
    %get3A_2 = arith.constant 0 : index
    %get3A_3 = vector.load %arg1[%get3A, %get3A_2] : memref<1024x768xf32, #tpu.memory_space<vmem>>, vector<1024x768xf32>
    %get3A_4 = arith.constant 0 : index
    %get3A_5 = arith.constant 0 : index
    %get3A_6 = vector.load %arg2[%get3A_4, %get3A_5] : memref<768x16xf32, #tpu.memory_space<vmem>>, vector<768x16xf32>
    %dot_general3A = arith.constant dense<0.000000e+00> : vector<1024x16xf32>
    %dot_general3A_7 = tpu.matmul %get3A_3, %get3A_6, %dot_general3A {dimension_numbers = #tpu.dot_dimension_numbers<[1], [0], [0], [1], [0, 0, 1, 1], [], []>, transpose_lhs_hint = false} : vector<1024x768xf32>, vector<768x16xf32>, vector<1024x16xf32> -> vector<1024x16xf32>
    %transpose3A = tpu.transpose %dot_general3A_7, [1, 0] : vector<1024x16xf32> -> vector<16x1024xf32>
    %get3A_8 = arith.constant 0 : index
    %get3A_9 = arith.constant 0 : index
    %get3A_10 = vector.load %arg4[%get3A_8, %get3A_9] : memref<16x1xf32, #tpu.memory_space<vmem>>, vector<16x1xf32>
    %add3A = vector.broadcast %get3A_10 : vector<16x1xf32> to vector<16x1024xf32>
    %add3A_11 = arith.addf %transpose3A, %add3A : vector<16x1024xf32>
    %get3A_12 = arith.constant 0 : index
    %get3A_13 = arith.constant 0 : index
    %get3A_14 = vector.load %arg8[%get3A_12, %get3A_13] : memref<16x4xf32, #tpu.memory_space<vmem>>, vector<16x1xf32>
    %get3A_15 = arith.constant 0 : index
    %get3A_16 = arith.constant 1 : index
    %get3A_17 = vector.load %arg8[%get3A_15, %get3A_16] : memref<16x4xf32, #tpu.memory_space<vmem>>, vector<16x1xf32>
    %get3A_18 = arith.constant 0 : index
    %get3A_19 = arith.constant 2 : index
    %get3A_20 = vector.load %arg8[%get3A_18, %get3A_19] : memref<16x4xf32, #tpu.memory_space<vmem>>, vector<16x1xf32>
    %get3A_21 = arith.constant 0 : index
    %get3A_22 = arith.constant 3 : index
    %get3A_23 = vector.load %arg8[%get3A_21, %get3A_22] : memref<16x4xf32, #tpu.memory_space<vmem>>, vector<16x1xf32>
    %broadcast_in_dim3A = arith.constant 0.000000e+00 : f32
    %broadcast_in_dim3A_24 = vector.broadcast %broadcast_in_dim3A : f32 to vector<16x1024xf32>
    %get3A_25 = arith.constant 0 : index
    %get3A_26 = arith.constant 0 : index
    %get3A_27 = vector.load %arg6[%get3A_25, %get3A_26] : memref<16x8xf32, #tpu.memory_space<vmem>>, vector<16x1xf32>
    %get3A_28 = arith.constant 0 : index
    %get3A_29 = arith.constant 0 : index
    %get3A_30 = vector.load %arg7[%get3A_28, %get3A_29] : memref<16x8xf32, #tpu.memory_space<vmem>>, vector<16x1xf32>
    %mul3A = vector.broadcast %get3A_27 : vector<16x1xf32> to vector<16x1024xf32>
    %mul3A_31 = arith.mulf %add3A_11, %mul3A : vector<16x1024xf32>
    %add3A_32 = vector.broadcast %get3A_20 : vector<16x1xf32> to vector<16x1024xf32>
    %add3A_33 = arith.addf %mul3A_31, %add3A_32 : vector<16x1024xf32>
    %tanh3A = math.tanh %add3A_33 : vector<16x1024xf32>
    %mul3A_34 = vector.broadcast %get3A_14 : vector<16x1xf32> to vector<16x1024xf32>
    %mul3A_35 = arith.mulf %tanh3A, %mul3A_34 : vector<16x1024xf32>
    %sub3A = vector.broadcast %get3A_17 : vector<16x1xf32> to vector<16x1024xf32>
    %sub3A_36 = arith.subf %mul3A_35, %sub3A : vector<16x1024xf32>
    %round3A = math.roundeven %sub3A_36 : vector<16x1024xf32>
    %mul3A_37 = vector.broadcast %get3A_30 : vector<16x1xf32> to vector<16x1024xf32>
    %mul3A_38 = arith.mulf %round3A, %mul3A_37 : vector<16x1024xf32>
    %sub3A_39 = arith.subf %add3A_11, %mul3A_38 : vector<16x1024xf32>
    %add3A_40 = arith.addf %broadcast_in_dim3A_24, %mul3A_38 : vector<16x1024xf32>
    %add3A_41 = vector.broadcast %get3A_23 : vector<16x1xf32> to vector<16x1024xf32>
    %add3A_42 = arith.addf %round3A, %add3A_41 : vector<16x1024xf32>
    %reshape3A = vector.shape_cast %add3A_42 : vector<16x1024xf32> to vector<4x4x1024xf32>
    %slice3A = vector.extract_strided_slice %reshape3A {offsets = [0, 0, 0], sizes = [4, 1, 1024], strides = [1, 1, 1]} : vector<4x4x1024xf32> to vector<4x1x1024xf32>
    %squeeze3A = vector.shape_cast %slice3A : vector<4x1x1024xf32> to vector<4x1024xf32>
    %slice3A_43 = vector.extract_strided_slice %reshape3A {offsets = [0, 1, 0], sizes = [4, 1, 1024], strides = [1, 1, 1]} : vector<4x4x1024xf32> to vector<4x1x1024xf32>
    %squeeze3A_44 = vector.shape_cast %slice3A_43 : vector<4x1x1024xf32> to vector<4x1024xf32>
    %mul3A_45 = arith.constant 8.000000e+00 : f32
    %mul3A_46 = vector.broadcast %mul3A_45 : f32 to vector<4x1024xf32>
    %mul3A_47 = arith.mulf %mul3A_46, %squeeze3A_44 : vector<4x1024xf32>
    %add3A_48 = arith.addf %squeeze3A, %mul3A_47 : vector<4x1024xf32>
    %convert_element_type3A_49 = arith.fptosi %add3A_48 : vector<4x1024xf32> to vector<4x1024xi32>
    %slice3A_50 = vector.extract_strided_slice %reshape3A {offsets = [0, 2, 0], sizes = [4, 1, 1024], strides = [1, 1, 1]} : vector<4x4x1024xf32> to vector<4x1x1024xf32>
    %squeeze3A_51 = vector.shape_cast %slice3A_50 : vector<4x1x1024xf32> to vector<4x1024xf32>
    %slice3A_52 = vector.extract_strided_slice %reshape3A {offsets = [0, 3, 0], sizes = [4, 1, 1024], strides = [1, 1, 1]} : vector<4x4x1024xf32> to vector<4x1x1024xf32>
    %squeeze3A_53 = vector.shape_cast %slice3A_52 : vector<4x1x1024xf32> to vector<4x1024xf32>
    %mul3A_54 = arith.constant 5.000000e+00 : f32
    %mul3A_55 = vector.broadcast %mul3A_54 : f32 to vector<4x1024xf32>
    %mul3A_56 = arith.mulf %mul3A_55, %squeeze3A_53 : vector<4x1024xf32>
    %add3A_57 = arith.addf %squeeze3A_51, %mul3A_56 : vector<4x1024xf32>
    %convert_element_type3A_58 = arith.fptosi %add3A_57 : vector<4x1024xf32> to vector<4x1024xi32>
    %mul3A_59 = arith.constant 40 : i32
    %mul3A_60 = vector.broadcast %mul3A_59 : i32 to vector<4x1024xi32>
    %mul3A_61 = arith.muli %mul3A_60, %convert_element_type3A_58 : vector<4x1024xi32>
    %add3A_62 = arith.addi %convert_element_type3A_49, %mul3A_61 : vector<4x1024xi32>
    %swap3A = arith.constant 0 : index
    %swap3A_63 = arith.constant 0 : index
    %swap3A_64 = arith.constant 0 : index
    %swap3A_65 = vector.load %arg10[%swap3A, %swap3A_63, %swap3A_64] : memref<4x8x1024xi32, #tpu.memory_space<vmem>>, vector<4x1x1024xi32>
    %swap3A_66 = vector.shape_cast %swap3A_65 : vector<4x1x1024xi32> to vector<4x1024xi32>
    %swap3A_67 = vector.shape_cast %add3A_62 : vector<4x1024xi32> to vector<4x1x1024xi32>
    tpu.vector_store %arg10[%swap3A, %swap3A_63, %swap3A_64], %swap3A_67 {strides = array<i32>} : memref<4x8x1024xi32, #tpu.memory_space<vmem>>, vector<4x1x1024xi32>,
    %get3A_68 = arith.constant 0 : index
    %get3A_69 = arith.constant 1 : index
    %get3A_70 = vector.load %arg6[%get3A_68, %get3A_69] : memref<16x8xf32, #tpu.memory_space<vmem>>, vector<16x1xf32>
    %get3A_71 = arith.constant 0 : index
    %get3A_72 = arith.constant 1 : index
    %get3A_73 = vector.load %arg7[%get3A_71, %get3A_72] : memref<16x8xf32, #tpu.memory_space<vmem>>, vector<16x1xf32>
    %mul3A_74 = vector.broadcast %get3A_70 : vector<16x1xf32> to vector<16x1024xf32>
    %mul3A_75 = arith.mulf %sub3A_39, %mul3A_74 : vector<16x1024xf32>
    %add3A_76 = vector.broadcast %get3A_20 : vector<16x1xf32> to vector<16x1024xf32>
    %add3A_77 = arith.addf %mul3A_75, %add3A_76 : vector<16x1024xf32>
    %tanh3A_78 = math.tanh %add3A_77 : vector<16x1024xf32>
    %mul3A_79 = vector.broadcast %get3A_14 : vector<16x1xf32> to vector<16x1024xf32>
    %mul3A_80 = arith.mulf %tanh3A_78, %mul3A_79 : vector<16x1024xf32>
    %sub3A_81 = vector.broadcast %get3A_17 : vector<16x1xf32> to vector<16x1024xf32>
    %sub3A_82 = arith.subf %mul3A_80, %sub3A_81 : vector<16x1024xf32>
    %round3A_83 = math.roundeven %sub3A_82 : vector<16x1024xf32>
    %mul3A_84 = vector.broadcast %get3A_73 : vector<16x1xf32> to vector<16x1024xf32>
    %mul3A_85 = arith.mulf %round3A_83, %mul3A_84 : vector<16x1024xf32>
    %sub3A_86 = arith.subf %sub3A_39, %mul3A_85 : vector<16x1024xf32>
    %add3A_87 = arith.addf %add3A_40, %mul3A_85 : vector<16x1024xf32>
    %add3A_88 = vector.broadcast %get3A_23 : vector<16x1xf32> to vector<16x1024xf32>
    %add3A_89 = arith.addf %round3A_83, %add3A_88 : vector<16x1024xf32>
    %reshape3A_90 = vector.shape_cast %add3A_89 : vector<16x1024xf32> to vector<4x4x1024xf32>
    %slice3A_91 = vector.extract_strided_slice %reshape3A_90 {offsets = [0, 0, 0], sizes = [4, 1, 1024], strides = [1, 1, 1]} : vector<4x4x1024xf32> to vector<4x1x1024xf32>
    %squeeze3A_92 = vector.shape_cast %slice3A_91 : vector<4x1x1024xf32> to vector<4x1024xf32>
    %slice3A_93 = vector.extract_strided_slice %reshape3A_90 {offsets = [0, 1, 0], sizes = [4, 1, 1024], strides = [1, 1, 1]} : vector<4x4x1024xf32> to vector<4x1x1024xf32>
    %squeeze3A_94 = vector.shape_cast %slice3A_93 : vector<4x1x1024xf32> to vector<4x1024xf32>
    %mul3A_95 = arith.constant 8.000000e+00 : f32
    %mul3A_96 = vector.broadcast %mul3A_95 : f32 to vector<4x1024xf32>
    %mul3A_97 = arith.mulf %mul3A_96, %squeeze3A_94 : vector<4x1024xf32>
    %add3A_98 = arith.addf %squeeze3A_92, %mul3A_97 : vector<4x1024xf32>
    %convert_element_type3A_99 = arith.fptosi %add3A_98 : vector<4x1024xf32> to vector<4x1024xi32>
    %slice3A_100 = vector.extract_strided_slice %reshape3A_90 {offsets = [0, 2, 0], sizes = [4, 1, 1024], strides = [1, 1, 1]} : vector<4x4x1024xf32> to vector<4x1x1024xf32>
    %squeeze3A_101 = vector.shape_cast %slice3A_100 : vector<4x1x1024xf32> to vector<4x1024xf32>
    %slice3A_102 = vector.extract_strided_slice %reshape3A_90 {offsets = [0, 3, 0], sizes = [4, 1, 1024], strides = [1, 1, 1]} : vector<4x4x1024xf32> to vector<4x1x1024xf32>
    %squeeze3A_103 = vector.shape_cast %slice3A_102 : vector<4x1x1024xf32> to vector<4x1024xf32>
    %mul3A_104 = arith.constant 5.000000e+00 : f32
    %mul3A_105 = vector.broadcast %mul3A_104 : f32 to vector<4x1024xf32>
    %mul3A_106 = arith.mulf %mul3A_105, %squeeze3A_103 : vector<4x1024xf32>
    %add3A_107 = arith.addf %squeeze3A_101, %mul3A_106 : vector<4x1024xf32>
    %convert_element_type3A_108 = arith.fptosi %add3A_107 : vector<4x1024xf32> to vector<4x1024xi32>
    %mul3A_109 = arith.constant 40 : i32
    %mul3A_110 = vector.broadcast %mul3A_109 : i32 to vector<4x1024xi32>
    %mul3A_111 = arith.muli %mul3A_110, %convert_element_type3A_108 : vector<4x1024xi32>
    %add3A_112 = arith.addi %convert_element_type3A_99, %mul3A_111 : vector<4x1024xi32>
    %swap3A_113 = arith.constant 0 : index
    %swap3A_114 = arith.constant 1 : index
    %swap3A_115 = arith.constant 0 : index
    %swap3A_116 = vector.load %arg10[%swap3A_113, %swap3A_114, %swap3A_115] : memref<4x8x1024xi32, #tpu.memory_space<vmem>>, vector<4x1x1024xi32>
    %swap3A_117 = vector.shape_cast %swap3A_116 : vector<4x1x1024xi32> to vector<4x1024xi32>
    %swap3A_118 = vector.shape_cast %add3A_112 : vector<4x1024xi32> to vector<4x1x1024xi32>
    tpu.vector_store %arg10[%swap3A_113, %swap3A_114, %swap3A_115], %swap3A_118 {strides = array<i32>} : memref<4x8x1024xi32, #tpu.memory_space<vmem>>, vector<4x1x1024xi32>,
    %get3A_119 = arith.constant 0 : index
    %get3A_120 = arith.constant 2 : index
    %get3A_121 = vector.load %arg6[%get3A_119, %get3A_120] : memref<16x8xf32, #tpu.memory_space<vmem>>, vector<16x1xf32>
    %get3A_122 = arith.constant 0 : index
    %get3A_123 = arith.constant 2 : index
    %get3A_124 = vector.load %arg7[%get3A_122, %get3A_123] : memref<16x8xf32, #tpu.memory_space<vmem>>, vector<16x1xf32>
    %mul3A_125 = vector.broadcast %get3A_121 : vector<16x1xf32> to vector<16x1024xf32>
    %mul3A_126 = arith.mulf %sub3A_86, %mul3A_125 : vector<16x1024xf32>
    %add3A_127 = vector.broadcast %get3A_20 : vector<16x1xf32> to vector<16x1024xf32>
    %add3A_128 = arith.addf %mul3A_126, %add3A_127 : vector<16x1024xf32>
    %tanh3A_129 = math.tanh %add3A_128 : vector<16x1024xf32>
    %mul3A_130 = vector.broadcast %get3A_14 : vector<16x1xf32> to vector<16x1024xf32>
    %mul3A_131 = arith.mulf %tanh3A_129, %mul3A_130 : vector<16x1024xf32>
    %sub3A_132 = vector.broadcast %get3A_17 : vector<16x1xf32> to vector<16x1024xf32>
    %sub3A_133 = arith.subf %mul3A_131, %sub3A_132 : vector<16x1024xf32>
    %round3A_134 = math.roundeven %sub3A_133 : vector<16x1024xf32>
    %mul3A_135 = vector.broadcast %get3A_124 : vector<16x1xf32> to vector<16x1024xf32>
    %mul3A_136 = arith.mulf %round3A_134, %mul3A_135 : vector<16x1024xf32>
    %sub3A_137 = arith.subf %sub3A_86, %mul3A_136 : vector<16x1024xf32>
    %add3A_138 = arith.addf %add3A_87, %mul3A_136 : vector<16x1024xf32>
    %add3A_139 = vector.broadcast %get3A_23 : vector<16x1xf32> to vector<16x1024xf32>
    %add3A_140 = arith.addf %round3A_134, %add3A_139 : vector<16x1024xf32>
    %reshape3A_141 = vector.shape_cast %add3A_140 : vector<16x1024xf32> to vector<4x4x1024xf32>
    %slice3A_142 = vector.extract_strided_slice %reshape3A_141 {offsets = [0, 0, 0], sizes = [4, 1, 1024], strides = [1, 1, 1]} : vector<4x4x1024xf32> to vector<4x1x1024xf32>
    %squeeze3A_143 = vector.shape_cast %slice3A_142 : vector<4x1x1024xf32> to vector<4x1024xf32>
    %slice3A_144 = vector.extract_strided_slice %reshape3A_141 {offsets = [0, 1, 0], sizes = [4, 1, 1024], strides = [1, 1, 1]} : vector<4x4x1024xf32> to vector<4x1x1024xf32>
    %squeeze3A_145 = vector.shape_cast %slice3A_144 : vector<4x1x1024xf32> to vector<4x1024xf32>
    %mul3A_146 = arith.constant 8.000000e+00 : f32
    %mul3A_147 = vector.broadcast %mul3A_146 : f32 to vector<4x1024xf32>
    %mul3A_148 = arith.mulf %mul3A_147, %squeeze3A_145 : vector<4x1024xf32>
    %add3A_149 = arith.addf %squeeze3A_143, %mul3A_148 : vector<4x1024xf32>
    %convert_element_type3A_150 = arith.fptosi %add3A_149 : vector<4x1024xf32> to vector<4x1024xi32>
    %slice3A_151 = vector.extract_strided_slice %reshape3A_141 {offsets = [0, 2, 0], sizes = [4, 1, 1024], strides = [1, 1, 1]} : vector<4x4x1024xf32> to vector<4x1x1024xf32>
    %squeeze3A_152 = vector.shape_cast %slice3A_151 : vector<4x1x1024xf32> to vector<4x1024xf32>
    %slice3A_153 = vector.extract_strided_slice %reshape3A_141 {offsets = [0, 3, 0], sizes = [4, 1, 1024], strides = [1, 1, 1]} : vector<4x4x1024xf32> to vector<4x1x1024xf32>
    %squeeze3A_154 = vector.shape_cast %slice3A_153 : vector<4x1x1024xf32> to vector<4x1024xf32>
    %mul3A_155 = arith.constant 5.000000e+00 : f32
    %mul3A_156 = vector.broadcast %mul3A_155 : f32 to vector<4x1024xf32>
    %mul3A_157 = arith.mulf %mul3A_156, %squeeze3A_154 : vector<4x1024xf32>
    %add3A_158 = arith.addf %squeeze3A_152, %mul3A_157 : vector<4x1024xf32>
    %convert_element_type3A_159 = arith.fptosi %add3A_158 : vector<4x1024xf32> to vector<4x1024xi32>
    %mul3A_160 = arith.constant 40 : i32
    %mul3A_161 = vector.broadcast %mul3A_160 : i32 to vector<4x1024xi32>
    %mul3A_162 = arith.muli %mul3A_161, %convert_element_type3A_159 : vector<4x1024xi32>
    %add3A_163 = arith.addi %convert_element_type3A_150, %mul3A_162 : vector<4x1024xi32>
    %swap3A_164 = arith.constant 0 : index
    %swap3A_165 = arith.constant 2 : index
    %swap3A_166 = arith.constant 0 : index
    %swap3A_167 = vector.load %arg10[%swap3A_164, %swap3A_165, %swap3A_166] : memref<4x8x1024xi32, #tpu.memory_space<vmem>>, vector<4x1x1024xi32>
    %swap3A_168 = vector.shape_cast %swap3A_167 : vector<4x1x1024xi32> to vector<4x1024xi32>
    %swap3A_169 = vector.shape_cast %add3A_163 : vector<4x1024xi32> to vector<4x1x1024xi32>
    tpu.vector_store %arg10[%swap3A_164, %swap3A_165, %swap3A_166], %swap3A_169 {strides = array<i32>} : memref<4x8x1024xi32, #tpu.memory_space<vmem>>, vector<4x1x1024xi32>,
    %get3A_170 = arith.constant 0 : index
    %get3A_171 = arith.constant 3 : index
    %get3A_172 = vector.load %arg6[%get3A_170, %get3A_171] : memref<16x8xf32, #tpu.memory_space<vmem>>, vector<16x1xf32>
    %get3A_173 = arith.constant 0 : index
    %get3A_174 = arith.constant 3 : index
    %get3A_175 = vector.load %arg7[%get3A_173, %get3A_174] : memref<16x8xf32, #tpu.memory_space<vmem>>, vector<16x1xf32>
    %mul3A_176 = vector.broadcast %get3A_172 : vector<16x1xf32> to vector<16x1024xf32>
    %mul3A_177 = arith.mulf %sub3A_137, %mul3A_176 : vector<16x1024xf32>
    %add3A_178 = vector.broadcast %get3A_20 : vector<16x1xf32> to vector<16x1024xf32>
    %add3A_179 = arith.addf %mul3A_177, %add3A_178 : vector<16x1024xf32>
    %tanh3A_180 = math.tanh %add3A_179 : vector<16x1024xf32>
    %mul3A_181 = vector.broadcast %get3A_14 : vector<16x1xf32> to vector<16x1024xf32>
    %mul3A_182 = arith.mulf %tanh3A_180, %mul3A_181 : vector<16x1024xf32>
    %sub3A_183 = vector.broadcast %get3A_17 : vector<16x1xf32> to vector<16x1024xf32>
    %sub3A_184 = arith.subf %mul3A_182, %sub3A_183 : vector<16x1024xf32>
    %round3A_185 = math.roundeven %sub3A_184 : vector<16x1024xf32>
    %mul3A_186 = vector.broadcast %get3A_175 : vector<16x1xf32> to vector<16x1024xf32>
    %mul3A_187 = arith.mulf %round3A_185, %mul3A_186 : vector<16x1024xf32>
    %sub3A_188 = arith.subf %sub3A_137, %mul3A_187 : vector<16x1024xf32>
    %add3A_189 = arith.addf %add3A_138, %mul3A_187 : vector<16x1024xf32>
    %add3A_190 = vector.broadcast %get3A_23 : vector<16x1xf32> to vector<16x1024xf32>
    %add3A_191 = arith.addf %round3A_185, %add3A_190 : vector<16x1024xf32>
    %reshape3A_192 = vector.shape_cast %add3A_191 : vector<16x1024xf32> to vector<4x4x1024xf32>
    %slice3A_193 = vector.extract_strided_slice %reshape3A_192 {offsets = [0, 0, 0], sizes = [4, 1, 1024], strides = [1, 1, 1]} : vector<4x4x1024xf32> to vector<4x1x1024xf32>
    %squeeze3A_194 = vector.shape_cast %slice3A_193 : vector<4x1x1024xf32> to vector<4x1024xf32>
    %slice3A_195 = vector.extract_strided_slice %reshape3A_192 {offsets = [0, 1, 0], sizes = [4, 1, 1024], strides = [1, 1, 1]} : vector<4x4x1024xf32> to vector<4x1x1024xf32>
    %squeeze3A_196 = vector.shape_cast %slice3A_195 : vector<4x1x1024xf32> to vector<4x1024xf32>
    %mul3A_197 = arith.constant 8.000000e+00 : f32
    %mul3A_198 = vector.broadcast %mul3A_197 : f32 to vector<4x1024xf32>
    %mul3A_199 = arith.mulf %mul3A_198, %squeeze3A_196 : vector<4x1024xf32>
    %add3A_200 = arith.addf %squeeze3A_194, %mul3A_199 : vector<4x1024xf32>
    %convert_element_type3A_201 = arith.fptosi %add3A_200 : vector<4x1024xf32> to vector<4x1024xi32>
    %slice3A_202 = vector.extract_strided_slice %reshape3A_192 {offsets = [0, 2, 0], sizes = [4, 1, 1024], strides = [1, 1, 1]} : vector<4x4x1024xf32> to vector<4x1x1024xf32>
    %squeeze3A_203 = vector.shape_cast %slice3A_202 : vector<4x1x1024xf32> to vector<4x1024xf32>
    %slice3A_204 = vector.extract_strided_slice %reshape3A_192 {offsets = [0, 3, 0], sizes = [4, 1, 1024], strides = [1, 1, 1]} : vector<4x4x1024xf32> to vector<4x1x1024xf32>
    %squeeze3A_205 = vector.shape_cast %slice3A_204 : vector<4x1x1024xf32> to vector<4x1024xf32>
    %mul3A_206 = arith.constant 5.000000e+00 : f32
    %mul3A_207 = vector.broadcast %mul3A_206 : f32 to vector<4x1024xf32>
    %mul3A_208 = arith.mulf %mul3A_207, %squeeze3A_205 : vector<4x1024xf32>
    %add3A_209 = arith.addf %squeeze3A_203, %mul3A_208 : vector<4x1024xf32>
    %convert_element_type3A_210 = arith.fptosi %add3A_209 : vector<4x1024xf32> to vector<4x1024xi32>
    %mul3A_211 = arith.constant 40 : i32
    %mul3A_212 = vector.broadcast %mul3A_211 : i32 to vector<4x1024xi32>
    %mul3A_213 = arith.muli %mul3A_212, %convert_element_type3A_210 : vector<4x1024xi32>
    %add3A_214 = arith.addi %convert_element_type3A_201, %mul3A_213 : vector<4x1024xi32>
    %swap3A_215 = arith.constant 0 : index
    %swap3A_216 = arith.constant 3 : index
    %swap3A_217 = arith.constant 0 : index
    %swap3A_218 = vector.load %arg10[%swap3A_215, %swap3A_216, %swap3A_217] : memref<4x8x1024xi32, #tpu.memory_space<vmem>>, vector<4x1x1024xi32>
    %swap3A_219 = vector.shape_cast %swap3A_218 : vector<4x1x1024xi32> to vector<4x1024xi32>
    %swap3A_220 = vector.shape_cast %add3A_214 : vector<4x1024xi32> to vector<4x1x1024xi32>
    tpu.vector_store %arg10[%swap3A_215, %swap3A_216, %swap3A_217], %swap3A_220 {strides = array<i32>} : memref<4x8x1024xi32, #tpu.memory_space<vmem>>, vector<4x1x1024xi32>,
    %get3A_221 = arith.constant 0 : index
    %get3A_222 = arith.constant 4 : index
    %get3A_223 = vector.load %arg6[%get3A_221, %get3A_222] : memref<16x8xf32, #tpu.memory_space<vmem>>, vector<16x1xf32>
    %get3A_224 = arith.constant 0 : index
    %get3A_225 = arith.constant 4 : index
    %get3A_226 = vector.load %arg7[%get3A_224, %get3A_225] : memref<16x8xf32, #tpu.memory_space<vmem>>, vector<16x1xf32>
    %mul3A_227 = vector.broadcast %get3A_223 : vector<16x1xf32> to vector<16x1024xf32>
    %mul3A_228 = arith.mulf %sub3A_188, %mul3A_227 : vector<16x1024xf32>
    %add3A_229 = vector.broadcast %get3A_20 : vector<16x1xf32> to vector<16x1024xf32>
    %add3A_230 = arith.addf %mul3A_228, %add3A_229 : vector<16x1024xf32>
    %tanh3A_231 = math.tanh %add3A_230 : vector<16x1024xf32>
    %mul3A_232 = vector.broadcast %get3A_14 : vector<16x1xf32> to vector<16x1024xf32>
    %mul3A_233 = arith.mulf %tanh3A_231, %mul3A_232 : vector<16x1024xf32>
    %sub3A_234 = vector.broadcast %get3A_17 : vector<16x1xf32> to vector<16x1024xf32>
    %sub3A_235 = arith.subf %mul3A_233, %sub3A_234 : vector<16x1024xf32>
    %round3A_236 = math.roundeven %sub3A_235 : vector<16x1024xf32>
    %mul3A_237 = vector.broadcast %get3A_226 : vector<16x1xf32> to vector<16x1024xf32>
    %mul3A_238 = arith.mulf %round3A_236, %mul3A_237 : vector<16x1024xf32>
    %sub3A_239 = arith.subf %sub3A_188, %mul3A_238 : vector<16x1024xf32>
    %add3A_240 = arith.addf %add3A_189, %mul3A_238 : vector<16x1024xf32>
    %add3A_241 = vector.broadcast %get3A_23 : vector<16x1xf32> to vector<16x1024xf32>
    %add3A_242 = arith.addf %round3A_236, %add3A_241 : vector<16x1024xf32>
    %reshape3A_243 = vector.shape_cast %add3A_242 : vector<16x1024xf32> to vector<4x4x1024xf32>
    %slice3A_244 = vector.extract_strided_slice %reshape3A_243 {offsets = [0, 0, 0], sizes = [4, 1, 1024], strides = [1, 1, 1]} : vector<4x4x1024xf32> to vector<4x1x1024xf32>
    %squeeze3A_245 = vector.shape_cast %slice3A_244 : vector<4x1x1024xf32> to vector<4x1024xf32>
    %slice3A_246 = vector.extract_strided_slice %reshape3A_243 {offsets = [0, 1, 0], sizes = [4, 1, 1024], strides = [1, 1, 1]} : vector<4x4x1024xf32> to vector<4x1x1024xf32>
    %squeeze3A_247 = vector.shape_cast %slice3A_246 : vector<4x1x1024xf32> to vector<4x1024xf32>
    %mul3A_248 = arith.constant 8.000000e+00 : f32
    %mul3A_249 = vector.broadcast %mul3A_248 : f32 to vector<4x1024xf32>
    %mul3A_250 = arith.mulf %mul3A_249, %squeeze3A_247 : vector<4x1024xf32>
    %add3A_251 = arith.addf %squeeze3A_245, %mul3A_250 : vector<4x1024xf32>
    %convert_element_type3A_252 = arith.fptosi %add3A_251 : vector<4x1024xf32> to vector<4x1024xi32>
    %slice3A_253 = vector.extract_strided_slice %reshape3A_243 {offsets = [0, 2, 0], sizes = [4, 1, 1024], strides = [1, 1, 1]} : vector<4x4x1024xf32> to vector<4x1x1024xf32>
    %squeeze3A_254 = vector.shape_cast %slice3A_253 : vector<4x1x1024xf32> to vector<4x1024xf32>
    %slice3A_255 = vector.extract_strided_slice %reshape3A_243 {offsets = [0, 3, 0], sizes = [4, 1, 1024], strides = [1, 1, 1]} : vector<4x4x1024xf32> to vector<4x1x1024xf32>
    %squeeze3A_256 = vector.shape_cast %slice3A_255 : vector<4x1x1024xf32> to vector<4x1024xf32>
    %mul3A_257 = arith.constant 5.000000e+00 : f32
    %mul3A_258 = vector.broadcast %mul3A_257 : f32 to vector<4x1024xf32>
    %mul3A_259 = arith.mulf %mul3A_258, %squeeze3A_256 : vector<4x1024xf32>
    %add3A_260 = arith.addf %squeeze3A_254, %mul3A_259 : vector<4x1024xf32>
    %convert_element_type3A_261 = arith.fptosi %add3A_260 : vector<4x1024xf32> to vector<4x1024xi32>
    %mul3A_262 = arith.constant 40 : i32
    %mul3A_263 = vector.broadcast %mul3A_262 : i32 to vector<4x1024xi32>
    %mul3A_264 = arith.muli %mul3A_263, %convert_element_type3A_261 : vector<4x1024xi32>
    %add3A_265 = arith.addi %convert_element_type3A_252, %mul3A_264 : vector<4x1024xi32>
    %swap3A_266 = arith.constant 0 : index
    %swap3A_267 = arith.constant 4 : index
    %swap3A_268 = arith.constant 0 : index
    %swap3A_269 = vector.load %arg10[%swap3A_266, %swap3A_267, %swap3A_268] : memref<4x8x1024xi32, #tpu.memory_space<vmem>>, vector<4x1x1024xi32>
    %swap3A_270 = vector.shape_cast %swap3A_269 : vector<4x1x1024xi32> to vector<4x1024xi32>
    %swap3A_271 = vector.shape_cast %add3A_265 : vector<4x1024xi32> to vector<4x1x1024xi32>
    tpu.vector_store %arg10[%swap3A_266, %swap3A_267, %swap3A_268], %swap3A_271 {strides = array<i32>} : memref<4x8x1024xi32, #tpu.memory_space<vmem>>, vector<4x1x1024xi32>,
    %get3A_272 = arith.constant 0 : index
    %get3A_273 = arith.constant 5 : index
    %get3A_274 = vector.load %arg6[%get3A_272, %get3A_273] : memref<16x8xf32, #tpu.memory_space<vmem>>, vector<16x1xf32>
    %get3A_275 = arith.constant 0 : index
    %get3A_276 = arith.constant 5 : index
    %get3A_277 = vector.load %arg7[%get3A_275, %get3A_276] : memref<16x8xf32, #tpu.memory_space<vmem>>, vector<16x1xf32>
    %mul3A_278 = vector.broadcast %get3A_274 : vector<16x1xf32> to vector<16x1024xf32>
    %mul3A_279 = arith.mulf %sub3A_239, %mul3A_278 : vector<16x1024xf32>
    %add3A_280 = vector.broadcast %get3A_20 : vector<16x1xf32> to vector<16x1024xf32>
    %add3A_281 = arith.addf %mul3A_279, %add3A_280 : vector<16x1024xf32>
    %tanh3A_282 = math.tanh %add3A_281 : vector<16x1024xf32>
    %mul3A_283 = vector.broadcast %get3A_14 : vector<16x1xf32> to vector<16x1024xf32>
    %mul3A_284 = arith.mulf %tanh3A_282, %mul3A_283 : vector<16x1024xf32>
    %sub3A_285 = vector.broadcast %get3A_17 : vector<16x1xf32> to vector<16x1024xf32>
    %sub3A_286 = arith.subf %mul3A_284, %sub3A_285 : vector<16x1024xf32>
    %round3A_287 = math.roundeven %sub3A_286 : vector<16x1024xf32>
    %mul3A_288 = vector.broadcast %get3A_277 : vector<16x1xf32> to vector<16x1024xf32>
    %mul3A_289 = arith.mulf %round3A_287, %mul3A_288 : vector<16x1024xf32>
    %sub3A_290 = arith.subf %sub3A_239, %mul3A_289 : vector<16x1024xf32>
    %add3A_291 = arith.addf %add3A_240, %mul3A_289 : vector<16x1024xf32>
    %add3A_292 = vector.broadcast %get3A_23 : vector<16x1xf32> to vector<16x1024xf32>
    %add3A_293 = arith.addf %round3A_287, %add3A_292 : vector<16x1024xf32>
    %reshape3A_294 = vector.shape_cast %add3A_293 : vector<16x1024xf32> to vector<4x4x1024xf32>
    %slice3A_295 = vector.extract_strided_slice %reshape3A_294 {offsets = [0, 0, 0], sizes = [4, 1, 1024], strides = [1, 1, 1]} : vector<4x4x1024xf32> to vector<4x1x1024xf32>
    %squeeze3A_296 = vector.shape_cast %slice3A_295 : vector<4x1x1024xf32> to vector<4x1024xf32>
    %slice3A_297 = vector.extract_strided_slice %reshape3A_294 {offsets = [0, 1, 0], sizes = [4, 1, 1024], strides = [1, 1, 1]} : vector<4x4x1024xf32> to vector<4x1x1024xf32>
    %squeeze3A_298 = vector.shape_cast %slice3A_297 : vector<4x1x1024xf32> to vector<4x1024xf32>
    %mul3A_299 = arith.constant 8.000000e+00 : f32
    %mul3A_300 = vector.broadcast %mul3A_299 : f32 to vector<4x1024xf32>
    %mul3A_301 = arith.mulf %mul3A_300, %squeeze3A_298 : vector<4x1024xf32>
    %add3A_302 = arith.addf %squeeze3A_296, %mul3A_301 : vector<4x1024xf32>
    %convert_element_type3A_303 = arith.fptosi %add3A_302 : vector<4x1024xf32> to vector<4x1024xi32>
    %slice3A_304 = vector.extract_strided_slice %reshape3A_294 {offsets = [0, 2, 0], sizes = [4, 1, 1024], strides = [1, 1, 1]} : vector<4x4x1024xf32> to vector<4x1x1024xf32>
    %squeeze3A_305 = vector.shape_cast %slice3A_304 : vector<4x1x1024xf32> to vector<4x1024xf32>
    %slice3A_306 = vector.extract_strided_slice %reshape3A_294 {offsets = [0, 3, 0], sizes = [4, 1, 1024], strides = [1, 1, 1]} : vector<4x4x1024xf32> to vector<4x1x1024xf32>
    %squeeze3A_307 = vector.shape_cast %slice3A_306 : vector<4x1x1024xf32> to vector<4x1024xf32>
    %mul3A_308 = arith.constant 5.000000e+00 : f32
    %mul3A_309 = vector.broadcast %mul3A_308 : f32 to vector<4x1024xf32>
    %mul3A_310 = arith.mulf %mul3A_309, %squeeze3A_307 : vector<4x1024xf32>
    %add3A_311 = arith.addf %squeeze3A_305, %mul3A_310 : vector<4x1024xf32>
    %convert_element_type3A_312 = arith.fptosi %add3A_311 : vector<4x1024xf32> to vector<4x1024xi32>
    %mul3A_313 = arith.constant 40 : i32
    %mul3A_314 = vector.broadcast %mul3A_313 : i32 to vector<4x1024xi32>
    %mul3A_315 = arith.muli %mul3A_314, %convert_element_type3A_312 : vector<4x1024xi32>
    %add3A_316 = arith.addi %convert_element_type3A_303, %mul3A_315 : vector<4x1024xi32>
    %swap3A_317 = arith.constant 0 : index
    %swap3A_318 = arith.constant 5 : index
    %swap3A_319 = arith.constant 0 : index
    %swap3A_320 = vector.load %arg10[%swap3A_317, %swap3A_318, %swap3A_319] : memref<4x8x1024xi32, #tpu.memory_space<vmem>>, vector<4x1x1024xi32>
    %swap3A_321 = vector.shape_cast %swap3A_320 : vector<4x1x1024xi32> to vector<4x1024xi32>
    %swap3A_322 = vector.shape_cast %add3A_316 : vector<4x1024xi32> to vector<4x1x1024xi32>
    tpu.vector_store %arg10[%swap3A_317, %swap3A_318, %swap3A_319], %swap3A_322 {strides = array<i32>} : memref<4x8x1024xi32, #tpu.memory_space<vmem>>, vector<4x1x1024xi32>,
    %get3A_323 = arith.constant 0 : index
    %get3A_324 = arith.constant 6 : index
    %get3A_325 = vector.load %arg6[%get3A_323, %get3A_324] : memref<16x8xf32, #tpu.memory_space<vmem>>, vector<16x1xf32>
    %get3A_326 = arith.constant 0 : index
    %get3A_327 = arith.constant 6 : index
    %get3A_328 = vector.load %arg7[%get3A_326, %get3A_327] : memref<16x8xf32, #tpu.memory_space<vmem>>, vector<16x1xf32>
    %mul3A_329 = vector.broadcast %get3A_325 : vector<16x1xf32> to vector<16x1024xf32>
    %mul3A_330 = arith.mulf %sub3A_290, %mul3A_329 : vector<16x1024xf32>
    %add3A_331 = vector.broadcast %get3A_20 : vector<16x1xf32> to vector<16x1024xf32>
    %add3A_332 = arith.addf %mul3A_330, %add3A_331 : vector<16x1024xf32>
    %tanh3A_333 = math.tanh %add3A_332 : vector<16x1024xf32>
    %mul3A_334 = vector.broadcast %get3A_14 : vector<16x1xf32> to vector<16x1024xf32>
    %mul3A_335 = arith.mulf %tanh3A_333, %mul3A_334 : vector<16x1024xf32>
    %sub3A_336 = vector.broadcast %get3A_17 : vector<16x1xf32> to vector<16x1024xf32>
    %sub3A_337 = arith.subf %mul3A_335, %sub3A_336 : vector<16x1024xf32>
    %round3A_338 = math.roundeven %sub3A_337 : vector<16x1024xf32>
    %mul3A_339 = vector.broadcast %get3A_328 : vector<16x1xf32> to vector<16x1024xf32>
    %mul3A_340 = arith.mulf %round3A_338, %mul3A_339 : vector<16x1024xf32>
    %sub3A_341 = arith.subf %sub3A_290, %mul3A_340 : vector<16x1024xf32>
    %add3A_342 = arith.addf %add3A_291, %mul3A_340 : vector<16x1024xf32>
    %add3A_343 = vector.broadcast %get3A_23 : vector<16x1xf32> to vector<16x1024xf32>
    %add3A_344 = arith.addf %round3A_338, %add3A_343 : vector<16x1024xf32>
    %reshape3A_345 = vector.shape_cast %add3A_344 : vector<16x1024xf32> to vector<4x4x1024xf32>
    %slice3A_346 = vector.extract_strided_slice %reshape3A_345 {offsets = [0, 0, 0], sizes = [4, 1, 1024], strides = [1, 1, 1]} : vector<4x4x1024xf32> to vector<4x1x1024xf32>
    %squeeze3A_347 = vector.shape_cast %slice3A_346 : vector<4x1x1024xf32> to vector<4x1024xf32>
    %slice3A_348 = vector.extract_strided_slice %reshape3A_345 {offsets = [0, 1, 0], sizes = [4, 1, 1024], strides = [1, 1, 1]} : vector<4x4x1024xf32> to vector<4x1x1024xf32>
    %squeeze3A_349 = vector.shape_cast %slice3A_348 : vector<4x1x1024xf32> to vector<4x1024xf32>
    %mul3A_350 = arith.constant 8.000000e+00 : f32
    %mul3A_351 = vector.broadcast %mul3A_350 : f32 to vector<4x1024xf32>
    %mul3A_352 = arith.mulf %mul3A_351, %squeeze3A_349 : vector<4x1024xf32>
    %add3A_353 = arith.addf %squeeze3A_347, %mul3A_352 : vector<4x1024xf32>
    %convert_element_type3A_354 = arith.fptosi %add3A_353 : vector<4x1024xf32> to vector<4x1024xi32>
    %slice3A_355 = vector.extract_strided_slice %reshape3A_345 {offsets = [0, 2, 0], sizes = [4, 1, 1024], strides = [1, 1, 1]} : vector<4x4x1024xf32> to vector<4x1x1024xf32>
    %squeeze3A_356 = vector.shape_cast %slice3A_355 : vector<4x1x1024xf32> to vector<4x1024xf32>
    %slice3A_357 = vector.extract_strided_slice %reshape3A_345 {offsets = [0, 3, 0], sizes = [4, 1, 1024], strides = [1, 1, 1]} : vector<4x4x1024xf32> to vector<4x1x1024xf32>
    %squeeze3A_358 = vector.shape_cast %slice3A_357 : vector<4x1x1024xf32> to vector<4x1024xf32>
    %mul3A_359 = arith.constant 5.000000e+00 : f32
    %mul3A_360 = vector.broadcast %mul3A_359 : f32 to vector<4x1024xf32>
    %mul3A_361 = arith.mulf %mul3A_360, %squeeze3A_358 : vector<4x1024xf32>
    %add3A_362 = arith.addf %squeeze3A_356, %mul3A_361 : vector<4x1024xf32>
    %convert_element_type3A_363 = arith.fptosi %add3A_362 : vector<4x1024xf32> to vector<4x1024xi32>
    %mul3A_364 = arith.constant 40 : i32
    %mul3A_365 = vector.broadcast %mul3A_364 : i32 to vector<4x1024xi32>
    %mul3A_366 = arith.muli %mul3A_365, %convert_element_type3A_363 : vector<4x1024xi32>
    %add3A_367 = arith.addi %convert_element_type3A_354, %mul3A_366 : vector<4x1024xi32>
    %swap3A_368 = arith.constant 0 : index
    %swap3A_369 = arith.constant 6 : index
    %swap3A_370 = arith.constant 0 : index
    %swap3A_371 = vector.load %arg10[%swap3A_368, %swap3A_369, %swap3A_370] : memref<4x8x1024xi32, #tpu.memory_space<vmem>>, vector<4x1x1024xi32>
    %swap3A_372 = vector.shape_cast %swap3A_371 : vector<4x1x1024xi32> to vector<4x1024xi32>
    %swap3A_373 = vector.shape_cast %add3A_367 : vector<4x1024xi32> to vector<4x1x1024xi32>
    tpu.vector_store %arg10[%swap3A_368, %swap3A_369, %swap3A_370], %swap3A_373 {strides = array<i32>} : memref<4x8x1024xi32, #tpu.memory_space<vmem>>, vector<4x1x1024xi32>,
    %get3A_374 = arith.constant 0 : index
    %get3A_375 = arith.constant 7 : index
    %get3A_376 = vector.load %arg6[%get3A_374, %get3A_375] : memref<16x8xf32, #tpu.memory_space<vmem>>, vector<16x1xf32>
    %get3A_377 = arith.constant 0 : index
    %get3A_378 = arith.constant 7 : index
    %get3A_379 = vector.load %arg7[%get3A_377, %get3A_378] : memref<16x8xf32, #tpu.memory_space<vmem>>, vector<16x1xf32>
    %mul3A_380 = vector.broadcast %get3A_376 : vector<16x1xf32> to vector<16x1024xf32>
    %mul3A_381 = arith.mulf %sub3A_341, %mul3A_380 : vector<16x1024xf32>
    %add3A_382 = vector.broadcast %get3A_20 : vector<16x1xf32> to vector<16x1024xf32>
    %add3A_383 = arith.addf %mul3A_381, %add3A_382 : vector<16x1024xf32>
    %tanh3A_384 = math.tanh %add3A_383 : vector<16x1024xf32>
    %mul3A_385 = vector.broadcast %get3A_14 : vector<16x1xf32> to vector<16x1024xf32>
    %mul3A_386 = arith.mulf %tanh3A_384, %mul3A_385 : vector<16x1024xf32>
    %sub3A_387 = vector.broadcast %get3A_17 : vector<16x1xf32> to vector<16x1024xf32>
    %sub3A_388 = arith.subf %mul3A_386, %sub3A_387 : vector<16x1024xf32>
    %round3A_389 = math.roundeven %sub3A_388 : vector<16x1024xf32>
    %mul3A_390 = vector.broadcast %get3A_379 : vector<16x1xf32> to vector<16x1024xf32>
    %mul3A_391 = arith.mulf %round3A_389, %mul3A_390 : vector<16x1024xf32>
    %add3A_392 = arith.addf %add3A_342, %mul3A_391 : vector<16x1024xf32>
    %add3A_393 = vector.broadcast %get3A_23 : vector<16x1xf32> to vector<16x1024xf32>
    %add3A_394 = arith.addf %round3A_389, %add3A_393 : vector<16x1024xf32>
    %reshape3A_395 = vector.shape_cast %add3A_394 : vector<16x1024xf32> to vector<4x4x1024xf32>
    %slice3A_396 = vector.extract_strided_slice %reshape3A_395 {offsets = [0, 0, 0], sizes = [4, 1, 1024], strides = [1, 1, 1]} : vector<4x4x1024xf32> to vector<4x1x1024xf32>
    %squeeze3A_397 = vector.shape_cast %slice3A_396 : vector<4x1x1024xf32> to vector<4x1024xf32>
    %slice3A_398 = vector.extract_strided_slice %reshape3A_395 {offsets = [0, 1, 0], sizes = [4, 1, 1024], strides = [1, 1, 1]} : vector<4x4x1024xf32> to vector<4x1x1024xf32>
    %squeeze3A_399 = vector.shape_cast %slice3A_398 : vector<4x1x1024xf32> to vector<4x1024xf32>
    %mul3A_400 = arith.constant 8.000000e+00 : f32
    %mul3A_401 = vector.broadcast %mul3A_400 : f32 to vector<4x1024xf32>
    %mul3A_402 = arith.mulf %mul3A_401, %squeeze3A_399 : vector<4x1024xf32>
    %add3A_403 = arith.addf %squeeze3A_397, %mul3A_402 : vector<4x1024xf32>
    %convert_element_type3A_404 = arith.fptosi %add3A_403 : vector<4x1024xf32> to vector<4x1024xi32>
    %slice3A_405 = vector.extract_strided_slice %reshape3A_395 {offsets = [0, 2, 0], sizes = [4, 1, 1024], strides = [1, 1, 1]} : vector<4x4x1024xf32> to vector<4x1x1024xf32>
    %squeeze3A_406 = vector.shape_cast %slice3A_405 : vector<4x1x1024xf32> to vector<4x1024xf32>
    %slice3A_407 = vector.extract_strided_slice %reshape3A_395 {offsets = [0, 3, 0], sizes = [4, 1, 1024], strides = [1, 1, 1]} : vector<4x4x1024xf32> to vector<4x1x1024xf32>
    %squeeze3A_408 = vector.shape_cast %slice3A_407 : vector<4x1x1024xf32> to vector<4x1024xf32>
    %mul3A_409 = arith.constant 5.000000e+00 : f32
    %mul3A_410 = vector.broadcast %mul3A_409 : f32 to vector<4x1024xf32>
    %mul3A_411 = arith.mulf %mul3A_410, %squeeze3A_408 : vector<4x1024xf32>
    %add3A_412 = arith.addf %squeeze3A_406, %mul3A_411 : vector<4x1024xf32>
    %convert_element_type3A_413 = arith.fptosi %add3A_412 : vector<4x1024xf32> to vector<4x1024xi32>
    %mul3A_414 = arith.constant 40 : i32
    %mul3A_415 = vector.broadcast %mul3A_414 : i32 to vector<4x1024xi32>
    %mul3A_416 = arith.muli %mul3A_415, %convert_element_type3A_413 : vector<4x1024xi32>
    %add3A_417 = arith.addi %convert_element_type3A_404, %mul3A_416 : vector<4x1024xi32>
    %swap3A_418 = arith.constant 0 : index
    %swap3A_419 = arith.constant 7 : index
    %swap3A_420 = arith.constant 0 : index
    %swap3A_421 = vector.load %arg10[%swap3A_418, %swap3A_419, %swap3A_420] : memref<4x8x1024xi32, #tpu.memory_space<vmem>>, vector<4x1x1024xi32>
    %swap3A_422 = vector.shape_cast %swap3A_421 : vector<4x1x1024xi32> to vector<4x1024xi32>
    %swap3A_423 = vector.shape_cast %add3A_417 : vector<4x1024xi32> to vector<4x1x1024xi32>
    tpu.vector_store %arg10[%swap3A_418, %swap3A_419, %swap3A_420], %swap3A_423 {strides = array<i32>} : memref<4x8x1024xi32, #tpu.memory_space<vmem>>, vector<4x1x1024xi32>,
    %get3A_424 = arith.constant 0 : index
    %get3A_425 = arith.constant 0 : index
    %get3A_426 = vector.load %arg3[%get3A_424, %get3A_425] : memref<16x768xf32, #tpu.memory_space<vmem>>, vector<16x768xf32>
    %dot_general3A_427 = arith.constant dense<0.000000e+00> : vector<1024x768xf32>
    %dot_general3A_428 = tpu.matmul %add3A_392, %get3A_426, %dot_general3A_427 {dimension_numbers = #tpu.dot_dimension_numbers<[0], [0], [1], [1], [0, 1, 1, 1], [], []>, transpose_lhs_hint = false} : vector<16x1024xf32>, vector<16x768xf32>, vector<1024x768xf32> -> vector<1024x768xf32>
    %get3A_429 = arith.constant 0 : index
    %get3A_430 = arith.constant 0 : index
    %get3A_431 = vector.load %arg5[%get3A_429, %get3A_430] : memref<1x768xf32, #tpu.memory_space<vmem>>, vector<1x768xf32>
    %add3A_432 = vector.broadcast %get3A_431 : vector<1x768xf32> to vector<1024x768xf32>
    %add3A_433 = arith.addf %dot_general3A_428, %add3A_432 : vector<1024x768xf32>
    %swap3A_434 = arith.constant 0 : index
    %swap3A_435 = arith.constant 0 : index
    %swap3A_436 = vector.load %arg11[%swap3A_434, %swap3A_435] : memref<1024x768xf32, #tpu.memory_space<vmem>>, vector<1024x768xf32>
    tpu.vector_store %arg11[%swap3A_434, %swap3A_435], %add3A_433 {strides = array<i32>} : memref<1024x768xf32, #tpu.memory_space<vmem>>, vector<1024x768xf32>,
    %sub3A_437 = arith.subf %add3A_433, %get3A_3 : vector<1024x768xf32>
    %get3A_438 = arith.constant 0 : index
    %get3A_439 = arith.constant 0 : index
    %get3A_440 = vector.load %arg9[%get3A_438, %get3A_439] : memref<1x1024xf32, #tpu.memory_space<vmem>>, vector<1x1024xf32>
    %mul3A_441 = arith.mulf %sub3A_437, %sub3A_437 : vector<1024x768xf32>
    %dot_general3A_442 = arith.constant dense<0.000000e+00> : vector<1x768xf32>
    %dot_general3A_443 = tpu.matmul %get3A_440, %mul3A_441, %dot_general3A_442 {dimension_numbers = #tpu.dot_dimension_numbers<[1], [0], [0], [1], [0, 0, 1, 1], [], []>, transpose_lhs_hint = false} : vector<1x1024xf32>, vector<1024x768xf32>, vector<1x768xf32> -> vector<1x768xf32>
    %get3A_444 = arith.constant 0 : index
    %get3A_445 = arith.constant 0 : index
    %get3A_446 = vector.load %arg13[%get3A_444, %get3A_445] : memref<1x768xf32, #tpu.memory_space<vmem>>, vector<1x768xf32>
    %add3A_447 = arith.addf %get3A_446, %dot_general3A_443 : vector<1x768xf32>
    %swap3A_448 = arith.constant 0 : index
    %swap3A_449 = arith.constant 0 : index
    %swap3A_450 = vector.load %arg13[%swap3A_448, %swap3A_449] : memref<1x768xf32, #tpu.memory_space<vmem>>, vector<1x768xf32>
    tpu.vector_store %arg13[%swap3A_448, %swap3A_449], %add3A_447 {strides = array<i32>} : memref<1x768xf32, #tpu.memory_space<vmem>>, vector<1x768xf32>,
    %eq3A_451 = arith.constant 15 : i32
    %eq3A_452 = arith.cmpi eq, %arg0, %eq3A_451 : i32
    %convert_element_type3A_453 = arith.extui %eq3A_452 : i1 to i32
    %cond3A_454 = arith.constant 0 : i32
    %cond3A_455 = arith.cmpi ne, %convert_element_type3A_453, %cond3A_454 : i32
    scf.if %cond3A_455 {
      %get3A_456 = arith.constant 0 : index
      %get3A_457 = arith.constant 0 : index
      %get3A_458 = vector.load %arg13[%get3A_456, %get3A_457] : memref<1x768xf32, #tpu.memory_space<vmem>>, vector<1x768xf32>
      %reduce_sum3A = arith.constant dense<0.000000e+00> : vector<1xf32>
      %reduce_sum3A_459 = vector.multi_reduction <add>, %get3A_458, %reduce_sum3A [1] : vector<1x768xf32> to vector<1xf32>
      %broadcast_in_dim3A_460 = vector.shape_cast %reduce_sum3A_459 : vector<1xf32> to vector<1x1xf32>
      %mul3A_461 = arith.constant 7.9472862E-8 : f32
      %mul3A_462 = vector.broadcast %mul3A_461 : f32 to vector<1x1xf32>
      %mul3A_463 = arith.mulf %broadcast_in_dim3A_460, %mul3A_462 : vector<1x1xf32>
      %swap3A_464 = arith.constant 0 : index
      %swap3A_465 = arith.constant 0 : index
      %swap3A_466 = vector.load %arg12[%swap3A_464, %swap3A_465] : memref<1x1xf32, #tpu.memory_space<vmem>>, vector<1x1xf32>
      tpu.vector_store %arg12[%swap3A_464, %swap3A_465], %mul3A_463 {strides = array<i32>} : memref<1x1xf32, #tpu.memory_space<vmem>>, vector<1x1xf32>,
    } else {
    }
    return
  }
  func.func @transform_0(%arg0: i32) -> (i32, i32) {
    %c0_i32 = arith.constant 0 : i32
    %c0_i32_0 = arith.constant 0 : i32
    return %arg0, %c0_i32 : i32, i32
  }
  func.func @transform_1(%arg0: i32) -> (i32, i32) {
    %c0_i32 = arith.constant 0 : i32
    %c0_i32_0 = arith.constant 0 : i32
    %c0_i32_1 = arith.constant 0 : i32
    return %c0_i32, %c0_i32_0 : i32, i32
  }
  func.func @transform_2(%arg0: i32) -> (i32, i32) {
    %c0_i32 = arith.constant 0 : i32
    %c0_i32_0 = arith.constant 0 : i32
    %c0_i32_1 = arith.constant 0 : i32
    return %c0_i32, %c0_i32_0 : i32, i32
  }
  func.func @transform_3(%arg0: i32) -> (i32, i32) {
    %c0_i32 = arith.constant 0 : i32
    %c0_i32_0 = arith.constant 0 : i32
    %c0_i32_1 = arith.constant 0 : i32
    return %c0_i32, %c0_i32_0 : i32, i32
  }
  func.func @transform_4(%arg0: i32) -> (i32, i32) {
    %c0_i32 = arith.constant 0 : i32
    %c0_i32_0 = arith.constant 0 : i32
    %c0_i32_1 = arith.constant 0 : i32
    return %c0_i32, %c0_i32_0 : i32, i32
  }
  func.func @transform_5(%arg0: i32) -> (i32, i32) {
    %c0_i32 = arith.constant 0 : i32
    %c0_i32_0 = arith.constant 0 : i32
    %c0_i32_1 = arith.constant 0 : i32
    return %c0_i32, %c0_i32_0 : i32, i32
  }
  func.func @transform_6(%arg0: i32) -> (i32, i32) {
    %c0_i32 = arith.constant 0 : i32
    %c0_i32_0 = arith.constant 0 : i32
    %c0_i32_1 = arith.constant 0 : i32
    return %c0_i32, %c0_i32_0 : i32, i32
  }
  func.func @transform_7(%arg0: i32) -> (i32, i32) {
    %c0_i32 = arith.constant 0 : i32
    %c0_i32_0 = arith.constant 0 : i32
    %c0_i32_1 = arith.constant 0 : i32
    return %c0_i32, %c0_i32_0 : i32, i32
  }
  func.func @transform_8(%arg0: i32) -> (i32, i32) {
    %c0_i32 = arith.constant 0 : i32
    %c0_i32_0 = arith.constant 0 : i32
    %c0_i32_1 = arith.constant 0 : i32
    return %c0_i32, %c0_i32_0 : i32, i32
  }
  func.func @transform_9(%arg0: i32) -> (i32, i32, i32) {
    %c0_i32 = arith.constant 0 : i32
    %c0_i32_0 = arith.constant 0 : i32
    %c0_i32_1 = arith.constant 0 : i32
    return %c0_i32, %c0_i32_0, %arg0 : i32, i32, i32
  }
  func.func @transform_10(%arg0: i32) -> (i32, i32) {
    %c0_i32 = arith.constant 0 : i32
    %c0_i32_0 = arith.constant 0 : i32
    return %arg0, %c0_i32 : i32, i32
  }
  func.func @transform_11(%arg0: i32) -> (i32, i32) {
    %c0_i32 = arith.constant 0 : i32
    %c0_i32_0 = arith.constant 0 : i32
    %c0_i32_1 = arith.constant 0 : i32
    return %c0_i32, %c0_i32_0 : i32, i32
  }
}

</mosaic_0001>

<sc_bundles>
// kernel: kernel.4.cloned.1.call-start
scs
__scs_entry_jumppad:
0x0: {  	(pc) =	sbr.rel $0x88, $3  }
0x1: {  	(tag) =	ssettag $0x0;
	lr =	simm.s32 $0x1  }
0x2: {  	[smem:$0x3F9C] =	sst lr;
	_ =	strace $0xD0000000  }
0x3: {  	_ = 	snop  }
0x4: {  	_ = 	snop  }
0x5: {  	_ = 	snop  }
0x6: {  	_ = 	snop  }
0x7: {  	_ = 	snop  }
__scs_overlays_trampoline_lowered:
0x8: {  	[smem:$0x3FAB] =	sst s0  }
0x9: {  	[smem:$0x3FAC] =	sst s1  }
0xa: {  	[smem:$0x3FAD] =	sst s2  }
0xb: {  	[smem:$0x3FAE] =	sst s3  }
0xc: {  	[smem:$0x3FAF] =	sst s4  }
0xd: {  	[smem:$0x3FB0] =	sst s5  }
0xe: {  	[smem:$0x3FB1] =	sst s6  }
0xf: {  	[smem:$0x3FB2] =	sst s7  }
0x10: {  	[smem:$0x3FB3] =	sst s8  }
0x11: {  	[smem:$0x3FB4] =	sst s9;
	s0 =	simm.s32 @!p0 $0x0  }
0x12: {  	s1 =	sld [smem:$0x3F9A];
	s0 =	simm.s32 @p0 $0x1  }
0x13: {  	[smem:$0x3FB5] =	sst s0;
	s0 =	simm.s32 @!p1 $0x0  }
0x14: {  	s2 =	sld [smem:$0x3F99];
	s0 =	simm.s32 @p1 $0x1  }
0x15: {  	[smem:$0x3FB6] =	sst s0;
	s0 =	simm.s32 @!p2 $0x0  }
0x16: {  	s3 =	sld [smem:$0x3FDB];
	s0 =	simm.s32 @p2 $0x1  }
0x17: {  	s4 =	simm.s32 $0x1BF5;
	[smem:$0x3FB8] =	sst s0  }
0x18: {  	s0 =	sld [smem:$0x3F9B];
	_ =	swait.ge [sflag:s4], $0x0  }
0x19: {  	s7 =	sld [smem:$0x3F9C]  }
0x1a: {  	s8 =	sadd.s32 $0xFFFFE003, lr  }
0x1b: {  	s9 =	sadd.s32 $0xFFFFFEF7, lr;
	s5 =	simm.s32 $0xFFFFFFFF;
	p2 =	slt.u32 s8, $0xFFFFF086  }
0x1c: {  	p1 =	slt.u32 s9, $0xF7A;
	s5 =	simm.s32 @!p2 $0x0  }
0x1d: {  	s5 =	simm.s32 @p1 $0x1;
	p0 =	seq.s32 s7, s2  }
0x1e: {  	s7 =	smul.u32 @!p0 $0xF7A, s2;
	p2 =	seq.s32 @!p0 s5, $0x0  }
0x1f: {  	s9 =	smul.u32 $0xF7A, s1;
	s8 =	simm.s32 @!p0 $0x1BF5;
	p2 =	por !p2, p0  }
0x20: {  	[sflag:s8] =	ssyncset.s32 @!p0 $0xFFFFF086;
	s6 =	sadd.s32 @!p0 s3, s7;
	s7 =	simm.s32 @!p0 $0x108  }
0x21: {  	s3 =	sadd.s32 s3, s9;
	s6 =	sadd.s32 @!p0 $0x88, s6;
	s7 =	simm.s32 @p2 $0x1082  }
0x22: {  	[simem:s7], [sflag:s8] =	dma.local @!p0 [hbm:s6], $0xF7A  }
0x23: {  	s9 =	sor.u32 $0xD0000000, s2;
	s6 =	simm.s32 $0x108;
	_ =	swait.ge @!p0 [sflag:s8], $0x0  }
0x24: {  	s3 =	sadd.s32 $0x88, s3;
	s6 =	simm.s32 @!p1 $0x1082;
	[sflag:s4] =	ssyncset.s32 $0xFFFFF086  }
0x25: {  	[simem:s6], [sflag:s4] =	dma.local [hbm:s3], $0xF7A  }
0x26: {  	[smem:$0x3F9C] =	sst s1;
	(tag) =	ssettag s2;
	_ =	strace s9  }
0x27: {  	s1 =	sld [smem:$0x3FAC]  }
0x28: {  	s2 =	sld [smem:$0x3FAD]  }
0x29: {  	s4 =	sld [smem:$0x3FAF]  }
0x2a: {  	p0 =	seq.s32 s5, $0x0;
	s5 =	sld [smem:$0x3FB0]  }
0x2b: {  	s6 =	sld [smem:$0x3FB1]  }
0x2c: {  	s7 =	sld [smem:$0x3FB2]  }
0x2d: {  	s3 =	simm.s32 $0x108;
	s8 =	sld [smem:$0x3FB3]  }
0x2e: {  	s3 =	simm.s32 @!p0 $0x1082;
	s9 =	sld [smem:$0x3FB4]  }
0x2f: {  	lr =	sadd.s32 s0, s3;
	s0 =	sld [smem:$0x3FAB]  }
0x30: {  	s3 =	sld [smem:$0x3FAE]  }
0x31: {  	[smem:$0x3FB7] =	sst s10  }
0x32: {  	s10 =	sld [smem:$0x3FB5];
	_ =	sdelay $0x3  }
0x33: {  	p0 =	seq.s32 s10, $0x1;
	s10 =	sld [smem:$0x3FB7];
	_ =	sdelay $0x3  }
0x34: {  	[smem:$0x3FB7] =	sst s10  }
0x35: {  	s10 =	sld [smem:$0x3FB6];
	_ =	sdelay $0x3  }
0x36: {  	p1 =	seq.s32 s10, $0x1;
	s10 =	sld [smem:$0x3FB7];
	_ =	sdelay $0x3  }
0x37: {  	[smem:$0x3FB7] =	sst s10  }
0x38: {  	s10 =	sld [smem:$0x3FB8]  }
0x39: {  	_ = 	snop;
	(pc) =	sbr.ind lr, $3  }
0x3a: {  	_ = 	snop  }
0x3b: {  	_ = 	snop  }
0x3c: {  	p2 =	seq.s32 s10, $0x1;
	s10 =	sld [smem:$0x3FB7]  }
0x3d: {  	_ =	shalt  }
0x3e: {  	_ =	shalt  }
0x3f: {  	_ =	shalt  }
0x40: {  	_ =	shalt  }
0x41: {  	_ =	shalt  }
0x42: {  	_ =	shalt  }
0x43: {  	_ =	shalt  }
0x44: {  	_ =	shalt  }
0x45: {  	_ =	shalt  }
0x46: {  	_ =	shalt  }
0x47: {  	_ =	shalt  }
0x48: {  	_ =	shalt  }
0x49: {  	_ =	shalt  }
0x4a: {  	_ =	shalt  }
0x4b: {  	_ =	shalt  }
0x4c: {  	_ =	shalt  }
0x4d: {  	_ =	shalt  }
0x4e: {  	_ =	shalt  }
0x4f: {  	_ =	shalt  }
0x50: {  	_ =	shalt  }
0x51: {  	_ =	shalt  }
0x52: {  	_ =	shalt  }
0x53: {  	_ =	shalt  }
0x54: {  	_ =	shalt  }
0x55: {  	_ =	shalt  }
0x56: {  	_ =	shalt  }
0x57: {  	_ =	shalt  }
0x58: {  	_ =	shalt  }
0x59: {  	_ =	shalt  }
0x5a: {  	_ =	shalt  }
0x5b: {  	_ =	shalt  }
0x5c: {  	_ =	shalt  }
0x5d: {  	_ =	shalt  }
0x5e: {  	_ =	shalt  }
0x5f: {  	_ =	shalt  }
0x60: {  	_ =	shalt  }
0x61: {  	_ =	shalt  }
0x62: {  	_ =	shalt  }
0x63: {  	_ =	shalt  }
0x64: {  	_ =	shalt  }
0x65: {  	_ =	shalt  }
0x66: {  	_ =	shalt  }
0x67: {  	_ =	shalt  }
0x68: {  	_ =	shalt  }
0x69: {  	_ =	shalt  }
0x6a: {  	_ =	shalt  }
0x6b: {  	_ =	shalt  }
0x6c: {  	_ =	shalt  }
0x6d: {  	_ =	shalt  }
0x6e: {  	_ =	shalt  }
0x6f: {  	_ =	shalt  }
0x70: {  	_ =	shalt  }
0x71: {  	_ =	shalt  }
0x72: {  	_ =	shalt  }
0x73: {  	_ =	shalt  }
0x74: {  	_ =	shalt  }
0x75: {  	_ =	shalt  }
0x76: {  	_ =	shalt  }
0x77: {  	_ =	shalt  }
0x78: {  	_ =	shalt  }
0x79: {  	_ =	shalt  }
0x7a: {  	_ =	shalt  }
0x7b: {  	_ =	shalt  }
0x7c: {  	_ =	shalt  }
0x7d: {  	_ =	shalt  }
0x7e: {  	_ =	shalt  }
0x7f: {  	_ =	shalt  }
0x80: {  	_ =	shalt  }
0x81: {  	_ =	shalt  }
0x82: {  	_ =	shalt  }
0x83: {  	_ =	shalt  }
0x84: {  	_ =	shalt  }
0x85: {  	_ =	shalt  }
0x86: {  	_ =	shalt  }
0x87: {  	_ =	shalt  }
.Lfunc_end0:
.L_simem_size_0:
called_computation_lowered:
.L_overlay_start_0:
0x88: {  	s2 =	sld [smem:$0x3FD9]  }
0x89: {  	s3 =	sld [smem:$0x3FFE];
	_ =	sdelay $0x1  }
0x8a: {  	s1 =	srdreg.scid  }
0x8b: {  	s0 =	sand.u32 $0x1, s1  }
0x8c: {  	s14 =	sshll.u32 s0, $0xA;
	s2 =	sadd.s32 s3, s2  }
0x8d: {  	s2 =	sadd.s32 s2, s14  }
0x8e: {  	[smem:$0x3FC3] =	sst s2  }
0x8f: {  	_ = 	snop  }
0x90: {  	s2 =	sld [smem:$0x3FD0];
	_ =	sdelay $0x2  }
0x91: {  	s15 =	simm.s32 $0xA;
	s4 =	simm.s32 $0x10  }
0x92: {  	[smem:s4], [sflag:s15] =	dma.local [hbm:s2], $0x1  }
0x93: {  	_ =	swait.eq [sflag:s15], $0x1  }
0x94: {  	[sflag:s15] =	ssyncset.done $0x0  }
0x95: {  	[sflag:s15] =	ssyncadd.s32 $0xFFFFFFFF  }
0x96: {  	s16 =	sld [smem:$0x13];
	(tm) =	ssettm $0x1  }
0x97: {  	s17 =	sld [smem:$0x3FFB];
	_ =	sdelay $0x3  }
0x98: {  	_ =	strace s17  }
0x99: {  	s3 =	sld [smem:$0x3FFC];
	_ =	sdelay $0x3  }
0x9a: {  	_ =	strace s3  }
0x9b: {  	s3 =	sld [smem:$0x3FFD];
	_ =	sdelay $0x3  }
0x9c: {  	_ =	strace s3  }
0x9d: {  	_ =	strace $0x8FFFFFFF  }
0x9e: {  	s18 =	sld [smem:$0x3FDB];
	_ =	sdelay $0x1  }
0x9f: {  	s19 =	simm.s32 $_scs_section_size  }
0xa0: {  	s5 =	simm.s32 $_size__tile_overlayer_lowered;
	s6 =	simm.s32 $_tile_overlayer_lowered  }
0xa1: {  	s22 =	simm.s32 $0x1BFF;
	s21 =	sshll.u32 s6, $0x1;
	s3 =	sadd.s32 s19, s18  }
0xa2: {  	s7 =	simm.s32 $0x0;
	s20 =	sshll.u32 s5, $0x1;
	s5 =	sadd.s32 s21, s3  }
0xa3: {  	[timem:s7], [sflag:s22] =	dma.local [hbm:s5], s20  }
0xa4: {  	_ =	swait.ge [sflag:s22], s20  }
0xa5: {  	s4 =	ssub.s32 $0x0, s20;
	[sflag:s22] =	ssyncset.done $0x0  }
0xa6: {  	[sflag:s22] =	ssyncadd.s32 s4;
	_ =	sdelay $0x1  }
0xa7: {  	s23 =	simm.s32 $0x1B8B  }
0xa8: {  	_ =	swait.ge [sflag:s23], $0x1  }
0xa9: {  	[sflag:s23] =	ssyncset.done $0x0  }
0xaa: {  	s25 =	simm.s32 $0x1B8E;
	s24 =	sld [smem:$0x3FFE];
	[sflag:s23] =	ssyncadd.s32 $0xFFFFFFFF  }
0xab: {  	s26 =	simm.s32 $execute0_lowered;
	[smem:$0x3FD2] =	sst s25  }
0xac: {  	s5 =	sshll.u32 s26, $0x1;
	_ =	strace $0x80000046;
	[dreg:$0x1] =	wrdreg $0xFFFFFFFF  }
0xad: {  	s28 =	simm.s32 $_size_execute0_lowered;
	s3 =	sadd.s32 s3, s5;
	[dreg:$0x0] =	wrdreg $0x0  }
0xae: {  	s5 =	sshll.u32 s28, $0x1;
	[dreg:$0x2] =	wrdreg s3  }
0xaf: {  	[dreg:$0x3] =	wrdreg s5  }
0xb0: {  	[dreg:$0x4] =	wrdreg $0xC0  }
0xb1: {  	_ =	task [dreg:s7], $0x5FFFF  }
0xb2: {  	[dreg:$0x1] =	wrdreg $0xFFFFFFFF  }
0xb3: {  	[dreg:$0x0] =	wrdreg $0x60  }
0xb4: {  	[dreg:$0x2] =	wrdreg s24  }
0xb5: {  	[dreg:$0x3] =	wrdreg s16  }
0xb6: {  	[dreg:$0x4] =	wrdreg $0x9  }
0xb7: {  	_ =	task.clear_ibuf [dreg:s7], $0x5FFFF;
	_ =	strace $0x90000046  }
0xb8: {  	s29 =	simm.s32 $0x9;
	_ =	strace $0x80000048  }
0xb9: {  	_ =	swait.ge [sflag:s29], $0x1  }
0xba: {  	[sflag:s29] =	ssyncadd.s32 $0xFFFFFFFF  }
0xbb: {  	_ =	strace $0x90000048  }
0xbc: {  	_ =	sfence  }
0xbd: {  	s30 =	sld [smem:$0x0];
	_ =	sdelay $0x2  }
0xbe: {  	s31 =	sshll.u32 s1, $0xD;
	s1 =	sshrl.u32 s1, $0x2  }
0xbf: {  	s3 =	sand.u32 $0x4000, s31;
	s1 =	sadd.s32 s1, s30  }
0xc0: {  	s0 =	sor.u32 s3, s0;
	s1 =	sshll.u32 s1, $0x11  }
0xc1: {  	s0 =	sor.u32 s1, s0  }
0xc2: {  	s0 =	sadd.s32 $0x8F2B, s0  }
0xc3: {  	[sflag:s0] =	ssyncadd.remote.s32 $0x1  }
0xc4: {  	_ =	sfence.sel $0xFFFF  }
0xc5: {  	[dreg:$0x0] =	wrdreg $0xFFFFFFFF;
	(pc) =	sbr.abs _section_cstart, $3  }
0xc6: {  	[dreg:$0x1] =	wrdreg $0xFFFFFFFF  }
0xc7: {  	_ =	task.clear_ibuf [dreg:s7], $0x2FFFF;
	_ =	strace $0x9FFFFFFF  }
0xc8: {  	(tm) =	ssettm $0x7FFFFFFF  }
0xc9: {  	_ =	shalt  }
tec
execute0_lowered:
.L_overlay_start_1:
0x0: {  	(tag) =	ssettag $0x1  }
0x1: {  	s3 =	rddreg [dreg:$0x0]  }
0x2: {  	s1 =	srdreg.scid;
	s0 =	stileid.u32  }
0x3: {  	s4 =	rddreg [dreg:$0x1];
	s2 =	simm.s32 $0x0;
	s8 =	simm.s32 $0x8000  }
0x4: {  	s5 =	sand.u32 $0x1, s1;
	s6 =	sshll.u32 s0, $0x1;
	s1 =	rddreg [dreg:$0x2]  }
0x5: {  	s9 =	simm.s32 $0x0;
	[smem:$0x7FF] =	sst s2;
	s6 =	sor.u32 s5, s6  }
0x6: {  	s5 =	ssub.s32 $0x2, s5;
	_ =	strace $0x80000047;
	s7 =	sshll.u32 s6, $0xB  }
0x7: {  	s31 =	sshrl.u32 s5, $0x1;
	s6 =	sshll.u32 s6, $0x1;
	s3 =	sadd.s32 s7, s3  }
0x8: {  	v1 =	vlaneseq.u32;
	s5 =	ssub.s32 s5, s31;
	s4 =	sadd.s32 s4, s6;
	s6 =	simm.s32 $0x1  }
0x9: {  	v0 =	vimm.f32 $0.0e+00;
	v2 =	vimm.f32 $1.000000000e+00;
	v1 =	vmul.u32 $0x400, v1;
	s7 =	simm.s32 $0x4000;
	s3 =	sadd.s32 $0x800, s3;
	s5 =	smax.u32 s5, $0x1  }
.LBB2_1:
0xa: {  	[tilespmem:s2], [sflag:$0x1] =	stream.linear.gather [hbm4b:s3+s2], $0x4000, $0x38;
	[tilespmem:$0x8010] =	vst v63  }
0xb: {  	_ =	swait.ge [sflag:s6], $0x4000  }
0xc: {  	[sflag:s6] =	ssyncset.done $0x0  }
0xd: {  	s12 =	simm.s32 $0x6000;
	[sflag:s6] =	ssyncadd.s32 $0xFFFFC000  }
0xe: {  	[tilespmem:s12+$0xFFFFE000] =	vst v0  }
0xf: {  	[tilespmem:s12+$0x1C10] =	vst v0  }
0x10: {  	[tilespmem:s12+$0x1810] =	vst v0  }
0x11: {  	[tilespmem:s12+$0x1410] =	vst v0  }
0x12: {  	[tilespmem:s12+$0x1010] =	vst v0  }
0x13: {  	[tilespmem:s12+$0xC10] =	vst v0  }
0x14: {  	[tilespmem:s12+$0x810] =	vst v0  }
0x15: {  	[tilespmem:s12+$0x410] =	vst v0  }
0x16: {  	[tilespmem:s12+$0x10] =	vst v0  }
0x17: {  	[tilespmem:s12+$0xFFFFFC10] =	vst v0  }
0x18: {  	[tilespmem:s12+$0xFFFFF810] =	vst v0  }
0x19: {  	[tilespmem:s12+$0xFFFFF410] =	vst v0  }
0x1a: {  	[tilespmem:s12+$0xFFFFF010] =	vst v0  }
0x1b: {  	[tilespmem:s12+$0xFFFFEC10] =	vst v0  }
0x1c: {  	[tilespmem:s12+$0xFFFFE810] =	vst v0  }
0x1d: {  	[tilespmem:s12+$0xFFFFE410] =	vst v0  }
0x1e: {  	[tilespmem:s12+$0xFFFFE010] =	vst v0  }
0x1f: {  	[tilespmem:s12+$0x1C00] =	vst v0  }
0x20: {  	[tilespmem:s12+$0x1800] =	vst v0  }
0x21: {  	[tilespmem:s12+$0x1400] =	vst v0  }
0x22: {  	[tilespmem:s12+$0x1000] =	vst v0  }
0x23: {  	[tilespmem:s12+$0xC00] =	vst v0  }
0x24: {  	[tilespmem:s12+$0x800] =	vst v0  }
0x25: {  	[tilespmem:s12+$0x400] =	vst v0  }
0x26: {  	[tilespmem:s12+$0x0] =	vst v0  }
0x27: {  	[tilespmem:s12+$0xFFFFFC00] =	vst v0  }
0x28: {  	[tilespmem:s12+$0xFFFFF800] =	vst v0  }
0x29: {  	[tilespmem:s12+$0xFFFFF400] =	vst v0  }
0x2a: {  	[tilespmem:s12+$0xFFFFF000] =	vst v0  }
0x2b: {  	[tilespmem:s12+$0xFFFFEC00] =	vst v0  }
0x2c: {  	s13 =	simm.s32 $0x0;
	s10 =	simm.s32 $0x80;
	[tilespmem:s12+$0xFFFFE800] =	vst v0  }
.LBB2_2:
0x2d: {  	s13 =	sadd.s32 $0x2, s13;
	[tilespmem:s12+$0xFFFFE400] =	vst v0;
	s12 =	sadd.s32 $0x20, s12;
	s11 =	simm.s32 $0xFFFFFFF0  }
0x2e: {  	[tilespmem:s12+$0xFFFFE000] =	vst v0;
	p0 =	slt.u32 s13, $0x3E  }
0x2f: {  	[tilespmem:s12+$0x1C10] =	vst v0  }
0x30: {  	[tilespmem:s12+$0x1810] =	vst v0  }
0x31: {  	[tilespmem:s12+$0x1410] =	vst v0  }
0x32: {  	[tilespmem:s12+$0x1010] =	vst v0  }
0x33: {  	[tilespmem:s12+$0xC10] =	vst v0  }
0x34: {  	[tilespmem:s12+$0x810] =	vst v0  }
0x35: {  	[tilespmem:s12+$0x410] =	vst v0  }
0x36: {  	[tilespmem:s12+$0x10] =	vst v0  }
0x37: {  	[tilespmem:s12+$0xFFFFFC10] =	vst v0  }
0x38: {  	[tilespmem:s12+$0xFFFFF810] =	vst v0  }
0x39: {  	[tilespmem:s12+$0xFFFFF410] =	vst v0  }
0x3a: {  	[tilespmem:s12+$0xFFFFF010] =	vst v0  }
0x3b: {  	[tilespmem:s12+$0xFFFFEC10] =	vst v0  }
0x3c: {  	[tilespmem:s12+$0xFFFFE810] =	vst v0  }
0x3d: {  	[tilespmem:s12+$0xFFFFE410] =	vst v0  }
0x3e: {  	[tilespmem:s12+$0xFFFFE010] =	vst v0  }
0x3f: {  	[tilespmem:s12+$0x1C00] =	vst v0  }
0x40: {  	[tilespmem:s12+$0x1800] =	vst v0  }
0x41: {  	[tilespmem:s12+$0x1400] =	vst v0  }
0x42: {  	[tilespmem:s12+$0x1000] =	vst v0  }
0x43: {  	[tilespmem:s12+$0xC00] =	vst v0  }
0x44: {  	[tilespmem:s12+$0x800] =	vst v0  }
0x45: {  	[tilespmem:s12+$0x400] =	vst v0  }
0x46: {  	[tilespmem:s12+$0x0] =	vst v0  }
0x47: {  	[tilespmem:s12+$0xFFFFFC00] =	vst v0  }
.Ltmp0:
0x48: {  	[tilespmem:s12+$0xFFFFF800] =	vst v0;
	(pc) =	sbr.rel @p0 .LBB2_2-.Ltmp0, $4  }
0x49: {  	[tilespmem:s12+$0xFFFFF400] =	vst v0  }
0x4a: {  	[tilespmem:s12+$0xFFFFF000] =	vst v0  }
0x4b: {  	[tilespmem:s12+$0xFFFFEC00] =	vst v0  }
0x4c: {  	[tilespmem:s12+$0xFFFFE800] =	vst v0  }
0x4d: {  	[tilespmem:s12+$0xFFFFE400] =	vst v0  }
.LBB2_4:
0x4e: {  	v3 =	vld [tilespmem:s10+$0xFFFFFF80];
	_ =	sdelay $0x4  }
0x4f: {  	v3 =	vadd.s32 v1, v3;
	_ =	sdelay $0x4  }
0x50: {  	[tilespmem:v3+s7+$0x0] =	vst.idx.add.f32.msk $0xffff, v2  }
0x51: {  	v3 =	vld [tilespmem:s10+$0xFFFFFF90];
	_ =	sdelay $0x4  }
0x52: {  	v3 =	vadd.s32 v1, v3;
	_ =	sdelay $0x4  }
0x53: {  	[tilespmem:v3+s7+$0x0] =	vst.idx.add.f32.msk $0xffff, v2  }
0x54: {  	v3 =	vld [tilespmem:s10+$0xFFFFFFA0];
	_ =	sdelay $0x4  }
0x55: {  	v3 =	vadd.s32 v1, v3;
	_ =	sdelay $0x4  }
0x56: {  	[tilespmem:v3+s7+$0x0] =	vst.idx.add.f32.msk $0xffff, v2  }
0x57: {  	v3 =	vld [tilespmem:s10+$0xFFFFFFB0];
	_ =	sdelay $0x4  }
0x58: {  	v3 =	vadd.s32 v1, v3;
	_ =	sdelay $0x4  }
0x59: {  	[tilespmem:v3+s7+$0x0] =	vst.idx.add.f32.msk $0xffff, v2  }
0x5a: {  	v3 =	vld [tilespmem:s10+$0xFFFFFFC0];
	_ =	sdelay $0x4  }
0x5b: {  	v3 =	vadd.s32 v1, v3;
	_ =	sdelay $0x4  }
0x5c: {  	[tilespmem:v3+s7+$0x0] =	vst.idx.add.f32.msk $0xffff, v2  }
0x5d: {  	v3 =	vld [tilespmem:s10+$0xFFFFFFD0];
	_ =	sdelay $0x4  }
0x5e: {  	v3 =	vadd.s32 v1, v3;
	_ =	sdelay $0x4  }
0x5f: {  	[tilespmem:v3+s7+$0x0] =	vst.idx.add.f32.msk $0xffff, v2  }
0x60: {  	v3 =	vld [tilespmem:s10+$0xFFFFFFE0];
	_ =	sdelay $0x4  }
0x61: {  	v3 =	vadd.s32 v1, v3;
	_ =	sdelay $0x4  }
0x62: {  	[tilespmem:v3+s7+$0x0] =	vst.idx.add.f32.msk $0xffff, v2  }
0x63: {  	v3 =	vld [tilespmem:s10+$0xFFFFFFF0];
	_ =	sdelay $0x4  }
0x64: {  	v3 =	vadd.s32 v1, v3;
	_ =	sdelay $0x4  }
0x65: {  	[tilespmem:v3+s7+$0x0] =	vst.idx.add.f32.msk $0xffff, v2  }
0x66: {  	v3 =	vld [tilespmem:s10+$0x0];
	_ =	sdelay $0x4  }
0x67: {  	v3 =	vadd.s32 v1, v3;
	_ =	sdelay $0x4  }
0x68: {  	[tilespmem:v3+s7+$0x0] =	vst.idx.add.f32.msk $0xffff, v2  }
0x69: {  	v3 =	vld [tilespmem:s10+$0x10];
	_ =	sdelay $0x4  }
0x6a: {  	v3 =	vadd.s32 v1, v3;
	_ =	sdelay $0x4  }
0x6b: {  	[tilespmem:v3+s7+$0x0] =	vst.idx.add.f32.msk $0xffff, v2  }
0x6c: {  	v3 =	vld [tilespmem:s10+$0x20];
	_ =	sdelay $0x4  }
0x6d: {  	v3 =	vadd.s32 v1, v3;
	_ =	sdelay $0x4  }
0x6e: {  	[tilespmem:v3+s7+$0x0] =	vst.idx.add.f32.msk $0xffff, v2  }
0x6f: {  	v3 =	vld [tilespmem:s10+$0x30];
	_ =	sdelay $0x4  }
0x70: {  	v3 =	vadd.s32 v1, v3;
	_ =	sdelay $0x4  }
0x71: {  	[tilespmem:v3+s7+$0x0] =	vst.idx.add.f32.msk $0xffff, v2  }
0x72: {  	v3 =	vld [tilespmem:s10+$0x40];
	_ =	sdelay $0x4  }
0x73: {  	v3 =	vadd.s32 v1, v3;
	_ =	sdelay $0x4  }
0x74: {  	[tilespmem:v3+s7+$0x0] =	vst.idx.add.f32.msk $0xffff, v2  }
0x75: {  	v3 =	vld [tilespmem:s10+$0x50];
	_ =	sdelay $0x4  }
0x76: {  	v3 =	vadd.s32 v1, v3;
	_ =	sdelay $0x4  }
0x77: {  	[tilespmem:v3+s7+$0x0] =	vst.idx.add.f32.msk $0xffff, v2  }
0x78: {  	v3 =	vld [tilespmem:s10+$0x60];
	_ =	sdelay $0x4  }
0x79: {  	v3 =	vadd.s32 v1, v3;
	_ =	sdelay $0x4  }
0x7a: {  	[tilespmem:v3+s7+$0x0] =	vst.idx.add.f32.msk $0xffff, v2  }
0x7b: {  	v3 =	vld [tilespmem:s10+$0x70];
	_ =	sdelay $0x3  }
0x7c: {  	s11 =	sadd.s32 $0x10, s11  }
0x7d: {  	p0 =	slt.u32 s11, $0x3F0;
	v3 =	vadd.s32 v1, v3  }
.Ltmp1:
0x7e: {  	_ = 	snop;
	(pc) =	sbr.rel @p0 .LBB2_4-.Ltmp1, $2  }
0x7f: {  	_ =	sdelay $0x2  }
0x80: {  	s12 =	simm.s32 $0x6000;
	s10 =	sadd.s32 $0x100, s10;
	[tilespmem:v3+s7+$0x0] =	vst.idx.add.f32.msk $0xffff, v2;
	v3 =	vimm.f32 $0.0e+00  }
0x81: {  	v4 =	vld [tilespmem:s12+$0xFFFFE810]  }
0x82: {  	v5 =	vld [tilespmem:s12+$0xFFFFE010]  }
0x83: {  	v6 =	vld [tilespmem:s12+$0xFFFFE410]  }
0x84: {  	v7 =	vld [tilespmem:s12+$0xFFFFE000]  }
0x85: {  	v8 =	vld [tilespmem:s12+$0xFFFFE400]  }
0x86: {  	v9 =	vld [tilespmem:s12+$0xFFFFE800]  }
0x87: {  	v10 =	vld [tilespmem:s12+$0xFFFFEC10]  }
0x88: {  	v11 =	vld [tilespmem:s12+$0xFFFFEC00]  }
0x89: {  	v12 =	vld [tilespmem:s12+$0xFFFFF010]  }
0x8a: {  	v13 =	vld [tilespmem:s12+$0xFFFFF000]  }
0x8b: {  	v14 =	vld [tilespmem:s12+$0xFFFFF410]  }
0x8c: {  	v15 =	vld [tilespmem:s12+$0x1C10]  }
0x8d: {  	v16 =	vld [tilespmem:s12+$0x1810]  }
0x8e: {  	v17 =	vld [tilespmem:s12+$0x1410]  }
0x8f: {  	v18 =	vld [tilespmem:s12+$0x1010]  }
0x90: {  	v19 =	vld [tilespmem:s12+$0xC10]  }
0x91: {  	v20 =	vld [tilespmem:s12+$0x810]  }
0x92: {  	v21 =	vld [tilespmem:s12+$0x410]  }
0x93: {  	v22 =	vld [tilespmem:s12+$0xFFFFF400]  }
0x94: {  	v23 =	vld [tilespmem:s12+$0x10]  }
0x95: {  	v24 =	vld [tilespmem:s12+$0xFFFFF810]  }
0x96: {  	v25 =	vld [tilespmem:s12+$0x0];
	s11 =	simm.s32 $0x6020  }
0x97: {  	s10 =	simm.s32 $0x6040;
	v26 =	vld [tilespmem:s11+$0xFFFFFC00];
	v7 =	vadd.f32 v8, v7  }
0x98: {  	v27 =	vld [tilespmem:s10+$0xFFFFE010]  }
0x99: {  	v29 =	vld [tilespmem:s10+$0xFFFFE000];
	v5 =	vadd.f32 v6, v5;
	v7 =	vadd.f32 v9, v7  }
0x9a: {  	v8 =	vld [tilespmem:s12+$0xFFFFF800]  }
0x9b: {  	v6 =	vld [tilespmem:s12+$0xFFFFFC10];
	v4 =	vadd.f32 v4, v5;
	v7 =	vadd.f32 v11, v7  }
0x9c: {  	v9 =	vld [tilespmem:s12+$0xFFFFFC00]  }
0x9d: {  	v5 =	vld [tilespmem:s11+$0xFFFFE810];
	v4 =	vadd.f32 v10, v4;
	v7 =	vadd.f32 v13, v7  }
0x9e: {  	v11 =	vld [tilespmem:s11+$0xFFFFE010]  }
0x9f: {  	v10 =	vld [tilespmem:s11+$0xFFFFE410];
	v4 =	vadd.f32 v12, v4;
	v7 =	vadd.f32 v22, v7  }
0xa0: {  	v13 =	vld [tilespmem:s11+$0xFFFFE000]  }
0xa1: {  	v12 =	vld [tilespmem:s11+$0xFFFFE400];
	v4 =	vadd.f32 v14, v4;
	v7 =	vadd.f32 v8, v7  }
0xa2: {  	v22 =	vld [tilespmem:s12+$0x400]  }
0xa3: {  	v14 =	vld [tilespmem:s11+$0xFFFFE800];
	v4 =	vadd.f32 v24, v4;
	v7 =	vadd.f32 v9, v7  }
0xa4: {  	v10 =	vadd.f32 v10, v11;
	v8 =	vld [tilespmem:s12+$0x800]  }
0xa5: {  	v11 =	vld [tilespmem:s11+$0x410];
	v4 =	vadd.f32 v6, v4;
	v7 =	vadd.f32 v25, v7  }
0xa6: {  	v9 =	vld [tilespmem:s12+$0xC00]  }
0xa7: {  	v24 =	vld [tilespmem:s11+$0xFFFFEC10];
	v4 =	vadd.f32 v23, v4;
	v7 =	vadd.f32 v22, v7  }
0xa8: {  	v12 =	vadd.f32 v12, v13;
	v25 =	vld [tilespmem:s12+$0x1000]  }
0xa9: {  	v13 =	vld [tilespmem:s11+$0x10];
	v4 =	vadd.f32 v21, v4;
	v7 =	vadd.f32 v8, v7  }
0xaa: {  	v22 =	vld [tilespmem:s12+$0x1400]  }
0xab: {  	v6 =	vld [tilespmem:s11+$0xFFFFEC00];
	v4 =	vadd.f32 v20, v4;
	v7 =	vadd.f32 v9, v7  }
0xac: {  	v8 =	vld [tilespmem:s12+$0x1800]  }
0xad: {  	v23 =	vld [tilespmem:s11+$0xFFFFF010];
	v4 =	vadd.f32 v19, v4;
	v7 =	vadd.f32 v25, v7  }
0xae: {  	v10 =	vadd.f32 v5, v10;
	v12 =	vadd.f32 v14, v12;
	v9 =	vld [tilespmem:s12+$0x1C00]  }
0xaf: {  	v14 =	vld [tilespmem:s11+$0x0];
	v4 =	vadd.f32 v18, v4;
	v7 =	vadd.f32 v22, v7  }
0xb0: {  	v10 =	vadd.f32 v24, v10;
	v20 =	vld [tilespmem:s11+$0xFFFFF410]  }
0xb1: {  	v21 =	vld [tilespmem:s11+$0xFFFFF000];
	v4 =	vadd.f32 v17, v4;
	v7 =	vadd.f32 v8, v7  }
0xb2: {  	v10 =	vadd.f32 v23, v10;
	v23 =	vld [tilespmem:s11+$0xFFFFFC10]  }
0xb3: {  	v19 =	vld [tilespmem:s11+$0x1C10];
	v4 =	vadd.f32 v16, v4;
	v7 =	vadd.f32 v9, v7  }
0xb4: {  	v18 =	vld [tilespmem:s11+$0x1410]  }
0xb5: {  	v10 =	vadd.f32 v20, v10;
	v20 =	vld [tilespmem:s10+$0xFFFFE810];
	v4 =	vadd.f32 v15, v4;
	v5 =	vmul.f32 $6.103515630e-05, v7  }
0xb6: {  	v9 =	vld [tilespmem:s11+$0xFFFFF400]  }
0xb7: {  	v6 =	vadd.f32 v6, v12;
	v7 =	vld [tilespmem:s11+$0xFFFFF810];
	v4 =	vmul.f32 $6.103515630e-05, v4;
	v12 =	vadd.f32 $1.000000010e-10, v5  }
0xb8: {  	v15 =	vld [tilespmem:s11+$0xFFFFF800]  }
0xb9: {  	v6 =	vadd.f32 v21, v6;
	v22 =	vld [tilespmem:s11+$0x1010];
	v16 =	vadd.f32 $1.000000010e-10, v4;
	v24 =	vand.u32 $0x7FFFFF, v12  }
0xba: {  	v17 =	vld [tilespmem:s11+$0xC10];
	v21 =	vor.u32 $0x3F800000, v24  }
0xbb: {  	v8 =	vld [tilespmem:s11+$0x810];
	v6 =	vadd.f32 v9, v6;
	v24 =	vand.u32 $0x7FFFFF, v16;
	v28 =	vadd.f32 $1.000000000e+00, v21  }
0xbc: {  	v7 =	vadd.f32 v7, v10;
	v10 =	vld [tilespmem:s10+$0xFFFFE410];
	v9 =	vor.u32 $0x3F800000, v24  }
0xbd: {  	v6 =	vadd.f32 v15, v6;
	v15 =	vld [tilespmem:s10+$0xFFFFE400];
	v24 =	vadd.f32 $1.000000000e+00, v9;
	(erf) = vrcp.f32 v28  }
0xbe: {  	v7 =	vadd.f32 v23, v7;
	v23 =	vld [tilespmem:s11+$0x400]  }
0xbf: {  	v6 =	vadd.f32 v26, v6;
	(erf) = vrcp.f32 v24;
	v24 =	vld [tilespmem:s10+$0xFFFFE800]  }
0xc0: {  	v7 =	vadd.f32 v13, v7;
	v13 =	vld [tilespmem:s11+$0x800]  }
0xc1: {  	v26 =	vld [tilespmem:s10+$0xFFFFEC10];
	v6 =	vadd.f32 v14, v6;
	v10 =	vadd.f32 v10, v27  }
0xc2: {  	v14 =	vld [tilespmem:s11+$0xC00];
	v7 =	vadd.f32 v11, v7;
	v11 =	vadd.f32 v15, v29  }
0xc3: {  	v15 =	vld [tilespmem:s10+$0xFFFFEC00];
	v10 =	vadd.f32 v20, v10;
	v6 =	vadd.f32 v23, v6  }
0xc4: {  	v7 =	vadd.f32 v8, v7;
	v8 =	vadd.f32 v24, v11;
	v11 =	vld [tilespmem:s11+$0x1000]  }
0xc5: {  	v20 =	vadd.f32 $-1.000000000e+00, v21;
	v21 =	vld [tilespmem:s10+$0xFFFFF010];
	v6 =	vadd.f32 v13, v6  }
0xc6: {  	v9 =	vadd.f32 $-1.000000000e+00, v9;
	v7 =	vadd.f32 v17, v7;
	v17 =	vld [tilespmem:s11+$0x1400];
	v13 =	vpop (erf)  }
0xc7: {  	v25 =	vld [tilespmem:s11+$0x1810];
	v10 =	vadd.f32 v26, v10;
	v6 =	vadd.f32 v14, v6;
	v20 =	vmul.f32 v13, v20  }
0xc8: {  	v15 =	vadd.f32 v15, v8;
	v7 =	vadd.f32 v22, v7;
	v13 =	vld [tilespmem:s10+$0xFFFFF000];
	v14 =	vpop (erf)  }
0xc9: {  	v22 =	vld [tilespmem:s11+$0x1800];
	v24 =	vmul.f32 v14, v9;
	v6 =	vadd.f32 v11, v6;
	v23 =	vmul.f32 v20, v20  }
0xca: {  	v9 =	vld [tilespmem:s10+$0xFFFFF410];
	v7 =	vadd.f32 v18, v7;
	v11 =	vadd.f32 v21, v10  }
0xcb: {  	v18 =	vld [tilespmem:s11+$0x1C00];
	v21 =	vmul.f32 v24, v24;
	v6 =	vadd.f32 v17, v6;
	v10 =	vmul.f32 $1.428571490e-01, v23  }
0xcc: {  	v8 =	vld [tilespmem:s10+$0x1C10];
	v14 =	vadd.f32 v25, v7;
	v32 =	vadd.f32 v24, v24  }
0xcd: {  	v7 =	vld [tilespmem:s10+$0x1810];
	v25 =	vadd.f32 v13, v15;
	v26 =	vmul.f32 $1.428571490e-01, v21;
	v15 =	vadd.f32 $2.000000030e-01, v10  }
0xce: {  	v24 =	vld [tilespmem:s10+$0xFFFFFC10];
	v6 =	vadd.f32 v22, v6;
	v19 =	vadd.f32 v19, v14  }
0xcf: {  	v13 =	vld [tilespmem:s10+$0x1010];
	v17 =	vadd.f32 v9, v11;
	v11 =	vadd.f32 $2.000000030e-01, v26;
	v9 =	vmul.f32 v15, v23  }
0xd0: {  	v14 =	vld [tilespmem:s10+$0xC10];
	v18 =	vadd.f32 v18, v6;
	v6 =	vmul.f32 $6.103515630e-05, v19  }
0xd1: {  	v10 =	vld [tilespmem:s10+$0x1410];
	v19 =	vshrl.u32 v16, $0x17;
	v11 =	vmul.f32 v11, v21;
	v9 =	vadd.f32 $3.333333430e-01, v9  }
0xd2: {  	v22 =	vshrl.u32 v12, $0x17;
	v16 =	vld [tilespmem:s10+$0x410];
	v19 =	vand.u32 $0xFF, v19;
	v12 =	vmul.f32 $6.103515630e-05, v18  }
0xd3: {  	v18 =	vand.u32 $0xFF, v22;
	v22 =	vld [tilespmem:s10+$0xFFFFF400];
	v11 =	vadd.f32 $3.333333430e-01, v11;
	v27 =	vmul.f32 v9, v23  }
0xd4: {  	v20 =	vadd.f32 v20, v20;
	v15 =	vld [tilespmem:s10+$0x810];
	v28 =	vadd.s32 $0xFFFFFF81, v19;
	v26 =	vadd.s32 $0xFFFFFF81, v18  }
0xd5: {  	v26 =	vcvt.s32.f32 v26;
	v23 =	vld [tilespmem:s10+$0xFFFFF810];
	v21 =	vmul.f32 v11, v21;
	v27 =	vadd.f32 $1.000000000e+00, v27  }
0xd6: {  	v19 =	vld [tilespmem:s10+$0x0];
	v31 =	vcvt.s32.f32 v28;
	v9 =	vadd.f32 $1.000000010e-10, v6;
	v11 =	vadd.f32 $1.000000010e-10, v12  }
0xd7: {  	v30 =	vmul.f32 $6.931471820e-01, v26;
	v26 =	vld [tilespmem:s10+$0xFFFFF800];
	v21 =	vadd.f32 $1.000000000e+00, v21;
	v20 =	vmul.f32 v27, v20  }
0xd8: {  	v18 =	vld [tilespmem:s10+$0x10];
	v29 =	vadd.f32 v22, v25;
	v25 =	vand.u32 $0x7FFFFF, v9;
	v22 =	vmul.f32 $6.931471820e-01, v31  }
0xd9: {  	s12 =	simm.s32 $0x6060;
	s11 =	simm.s32 $0x4;
	v28 =	vand.u32 $0x7FFFFF, v11;
	v27 =	vld [tilespmem:s10+$0xFFFFFC00];
	v21 =	vmul.f32 v21, v32;
	v20 =	vadd.f32 v20, v30  }
.LBB2_6:
0xda: {  	v30 =	vld [tilespmem:s12+$0xFFFFE810];
	v17 =	vadd.f32 v23, v17;
	v23 =	vor.u32 $0x3F800000, v28;
	v25 =	vor.u32 $0x3F800000, v25  }
0xdb: {  	v28 =	vld [tilespmem:s12+$0xFFFFE010];
	v31 =	vadd.f32 $1.000000000e+00, v23;
	v20 =	vmul.f32 v20, v5;
	v21 =	vadd.f32 v21, v22  }
0xdc: {  	vm0 =	vgt.f32 v5, $0.0e+00;
	v5 =	vmovc v12;
	v22 =	vld [tilespmem:s12+$0xFFFFE410];
	v26 =	vadd.f32 v26, v29;
	v29 =	vadd.f32 $1.000000000e+00, v25  }
0xdd: {  	v12 =	vld [tilespmem:s12+$0xFFFFE000];
	(erf) = vrcp.f32 v31;
	v20 =	vnsel vm0, $0x0, v20;
	v21 =	vmul.f32 v21, v4  }
0xde: {  	v17 =	vadd.f32 v24, v17;
	vm0 =	vgt.f32 v4, $0.0e+00;
	v4 =	vmovc v6;
	v31 =	vld [tilespmem:s12+$0xFFFFE400];
	v3 =	vsub.f32 v3, v20  }
0xdf: {  	v6 =	vadd.f32 v27, v26;
	v20 =	vld [tilespmem:s10+$0x400];
	(erf) = vrcp.f32 v29;
	v21 =	vnsel vm0, $0x0, v21  }
0xe0: {  	v17 =	vadd.f32 v18, v17;
	v24 =	vld [tilespmem:s12+$0xFFFFE800];
	v3 =	vsub.f32 v3, v21  }
0xe1: {  	v18 =	vadd.f32 v22, v28;
	v21 =	vld [tilespmem:s10+$0x800]  }
0xe2: {  	v6 =	vadd.f32 v19, v6;
	v16 =	vadd.f32 v16, v17;
	v22 =	vld [tilespmem:s12+$0xFFFFEC10]  }
0xe3: {  	v12 =	vadd.f32 v31, v12;
	v17 =	vadd.f32 v30, v18;
	v18 =	vld [tilespmem:s10+$0xC00]  }
0xe4: {  	v26 =	vadd.f32 v15, v16;
	v19 =	vld [tilespmem:s12+$0xFFFFEC00];
	v6 =	vadd.f32 v20, v6  }
0xe5: {  	v20 =	vadd.f32 $-1.000000000e+00, v23;
	v12 =	vadd.f32 v24, v12;
	v16 =	vld [tilespmem:s10+$0x1000]  }
0xe6: {  	v24 =	vadd.f32 v14, v26;
	v23 =	vld [tilespmem:s12+$0xFFFFF010];
	v6 =	vadd.f32 v21, v6;
	v15 =	vpop (erf)  }
0xe7: {  	v17 =	vadd.f32 v22, v17;
	v21 =	vld [tilespmem:s10+$0x1400];
	v20 =	vmul.f32 v15, v20;
	v15 =	vadd.f32 $-1.000000000e+00, v25  }
0xe8: {  	v13 =	vadd.f32 v13, v24;
	v22 =	vld [tilespmem:s12+$0xFFFFF000];
	v6 =	vadd.f32 v18, v6;
	v14 =	vpop (erf)  }
0xe9: {  	v12 =	vadd.f32 v19, v12;
	v18 =	vld [tilespmem:s10+$0x1800];
	v19 =	vmul.f32 v20, v20;
	v24 =	vmul.f32 v14, v15  }
0xea: {  	v10 =	vadd.f32 v10, v13;
	v14 =	vld [tilespmem:s12+$0xFFFFF410];
	v6 =	vadd.f32 v16, v6  }
0xeb: {  	v13 =	vadd.f32 v23, v17;
	v15 =	vld [tilespmem:s10+$0x1C00];
	v16 =	vmul.f32 $1.428571490e-01, v19;
	v25 =	vmul.f32 v24, v24;
	s10 =	smov.u32 s12  }
0xec: {  	v17 =	vadd.f32 v7, v10;
	v23 =	vld [tilespmem:s12+$0x1C10];
	v6 =	vadd.f32 v21, v6  }
0xed: {  	v21 =	vadd.f32 v22, v12;
	v7 =	vld [tilespmem:s12+$0x1810];
	v12 =	vadd.f32 $2.000000030e-01, v16;
	v16 =	vmul.f32 $1.428571490e-01, v25  }
0xee: {  	v27 =	vadd.f32 v8, v17;
	v10 =	vld [tilespmem:s12+$0x1410];
	v6 =	vadd.f32 v18, v6  }
0xef: {  	v17 =	vadd.f32 v14, v13;
	v13 =	vld [tilespmem:s12+$0x1010];
	v12 =	vmul.f32 v12, v19;
	v16 =	vadd.f32 $2.000000030e-01, v16  }
0xf0: {  	v9 =	vshrl.u32 v9, $0x17;
	v14 =	vld [tilespmem:s12+$0xC10];
	v18 =	vadd.f32 v15, v6;
	v6 =	vmul.f32 $6.103515630e-05, v27  }
0xf1: {  	v11 =	vshrl.u32 v11, $0x17;
	v15 =	vld [tilespmem:s12+$0x810];
	v22 =	vadd.f32 $3.333333430e-01, v12;
	v26 =	vmul.f32 v16, v25;
	v8 =	vmovc v23  }
0xf2: {  	s11 =	sadd.s32 $0x2, s11;
	v11 =	vand.u32 $0xFF, v11;
	v23 =	vand.u32 $0xFF, v9;
	v16 =	vld [tilespmem:s12+$0x410];
	v12 =	vmul.f32 $6.103515630e-05, v18  }
0xf3: {  	p0 =	slt.u32 s11, $0x3E;
	v11 =	vadd.s32 $0xFFFFFF81, v11;
	v27 =	vld [tilespmem:s12+$0xFFFFF400];
	v19 =	vmul.f32 v22, v19;
	v22 =	vadd.f32 $3.333333430e-01, v26  }
0xf4: {  	v9 =	vadd.f32 $1.000000010e-10, v6;
	v28 =	vadd.s32 $0xFFFFFF81, v23;
	v26 =	vcvt.s32.f32 v11;
	v18 =	vld [tilespmem:s12+$0x10]  }
.Ltmp2:
0xf5: {  	v20 =	vadd.f32 v20, v20;
	v23 =	vld [tilespmem:s12+$0xFFFFF810];
	v29 =	vadd.f32 $1.000000000e+00, v19;
	v22 =	vmul.f32 v22, v25;
	(pc) =	sbr.rel @p0 .LBB2_6-.Ltmp2, $4  }
0xf6: {  	v31 =	vcvt.s32.f32 v28;
	v11 =	vadd.f32 $1.000000010e-10, v12;
	v30 =	vmul.f32 $6.931471820e-01, v26;
	v19 =	vld [tilespmem:s12+$0x0]  }
0xf7: {  	v32 =	vadd.f32 v24, v24;
	v26 =	vld [tilespmem:s12+$0xFFFFF800];
	v20 =	vmul.f32 v29, v20;
	v22 =	vadd.f32 $1.000000000e+00, v22  }
0xf8: {  	v25 =	vand.u32 $0x7FFFFF, v9;
	v28 =	vand.u32 $0x7FFFFF, v11;
	v29 =	vadd.f32 v27, v21;
	v24 =	vld [tilespmem:s12+$0xFFFFFC10]  }
0xf9: {  	s12 =	sadd.s32 $0x20, s12;
	v27 =	vld [tilespmem:s10+$0xFFFFFC00];
	v20 =	vadd.f32 v20, v30;
	v21 =	vmul.f32 v22, v32;
	v22 =	vmul.f32 $6.931471820e-01, v31  }
0xfa: {  	_ =	sdelay $0x1  }
0xfb: {  	v26 =	vadd.f32 v26, v29  }
0xfc: {  	v42 =	vld [tilespmem:s10+$0x400]  }
0xfd: {  	v17 =	vadd.f32 v23, v17;
	v43 =	vadd.f32 v27, v26  }
0xfe: {  	v44 =	vld [tilespmem:s10+$0x800]  }
0xff: {  	v17 =	vadd.f32 v24, v17;
	v19 =	vadd.f32 v19, v43  }
0x100: {  	v45 =	vld [tilespmem:s10+$0xC00]  }
0x101: {  	v17 =	vadd.f32 v18, v17;
	v46 =	vadd.f32 v42, v19  }
0x102: {  	v47 =	vld [tilespmem:s10+$0x1000]  }
0x103: {  	v16 =	vadd.f32 v16, v17;
	v48 =	vadd.f32 v44, v46  }
0x104: {  	v49 =	vld [tilespmem:s10+$0x1400]  }
0x105: {  	v15 =	vadd.f32 v15, v16;
	v50 =	vadd.f32 v45, v48  }
0x106: {  	v51 =	vld [tilespmem:s10+$0x1800]  }
0x107: {  	v14 =	vadd.f32 v14, v15;
	v52 =	vadd.f32 v47, v50  }
0x108: {  	v53 =	vld [tilespmem:s10+$0x1C00]  }
0x109: {  	v13 =	vadd.f32 v13, v14;
	v55 =	vadd.f32 v49, v52;
	_ =	sdelay $0x1  }
0x10a: {  	v54 =	vor.u32 $0x3F800000, v28;
	v10 =	vadd.f32 v10, v13;
	v58 =	vadd.f32 v51, v55  }
0x10b: {  	v56 =	vadd.f32 $1.000000000e+00, v54  }
0x10c: {  	v57 =	vor.u32 $0x3F800000, v25;
	v7 =	vadd.f32 v7, v10;
	v60 =	vadd.f32 v53, v58  }
0x10d: {  	v59 =	vadd.f32 $1.000000000e+00, v57;
	(erf) = vrcp.f32 v56  }
0x10e: {  	v7 =	vadd.f32 v8, v7;
	v8 =	vmul.f32 $6.103515630e-05, v60  }
0x10f: {  	(erf) = vrcp.f32 v59  }
0x110: {  	v7 =	vmul.f32 $6.103515630e-05, v7;
	v10 =	vadd.f32 $1.000000010e-10, v8;
	_ =	sdelay $0x1  }
0x111: {  	v61 =	vadd.f32 $1.000000010e-10, v7;
	v62 =	vand.u32 $0x7FFFFF, v10  }
0x112: {  	v14 =	vor.u32 $0x3F800000, v62  }
0x113: {  	v24 =	vand.u32 $0x7FFFFF, v61;
	v25 =	vadd.f32 $1.000000000e+00, v14  }
0x114: {  	v63 =	vadd.f32 $-1.000000000e+00, v54;
	v26 =	vor.u32 $0x3F800000, v24  }
0x115: {  	v23 =	vpop (erf);
	v28 =	vadd.f32 $1.000000000e+00, v26;
	(erf) = vrcp.f32 v25  }
0x116: {  	v15 =	vmul.f32 v23, v63  }
0x117: {  	v29 =	vpop (erf);
	(erf) = vrcp.f32 v28  }
0x118: {  	vm0 =	vgt.f32 v5, $0.0e+00;
	vm11 =	vgt.f32 v4, $0.0e+00;
	v30 =	vmul.f32 v15, v15  }
0x119: {  	v9 =	vshrl.u32 v9, $0x17;
	v11 =	vshrl.u32 v11, $0x17;
	vm12 =	vgt.f32 v12, $0.0e+00  }
0x11a: {  	v32 =	vmul.f32 v20, v5;
	v27 =	vadd.f32 $-1.000000000e+00, v57;
	v31 =	vmul.f32 $1.428571490e-01, v30  }
0x11b: {  	v33 =	vadd.f32 v21, v22;
	v11 =	vand.u32 $0xFF, v11;
	v9 =	vand.u32 $0xFF, v9  }
0x11c: {  	v11 =	vadd.s32 $0xFFFFFF81, v11;
	v17 =	vmul.f32 v29, v27;
	v35 =	vadd.f32 $2.000000030e-01, v31  }
0x11d: {  	v37 =	vmul.f32 v33, v4;
	v11 =	vcvt.s32.f32 v11;
	v14 =	vadd.f32 $-1.000000000e+00, v14  }
0x11e: {  	v9 =	vadd.s32 $0xFFFFFF81, v9;
	v34 =	vmul.f32 v17, v17;
	v39 =	vmul.f32 v35, v30;
	v42 =	vpop (erf)  }
0x11f: {  	v9 =	vcvt.s32.f32 v9;
	v16 =	vadd.f32 $-1.000000000e+00, v26;
	v14 =	vmul.f32 v42, v14  }
0x120: {  	v11 =	vmul.f32 $6.931471820e-01, v11;
	v38 =	vmul.f32 $1.428571490e-01, v34;
	v4 =	vadd.f32 $3.333333430e-01, v39;
	v43 =	vpop (erf)  }
0x121: {  	v36 =	vnsel vm0, $0x0, v32;
	v16 =	vmul.f32 v43, v16;
	v44 =	vmul.f32 v14, v14  }
0x122: {  	v9 =	vmul.f32 $6.931471820e-01, v9;
	v41 =	vadd.f32 $2.000000030e-01, v38;
	v4 =	vmul.f32 v4, v30  }
0x123: {  	v3 =	vsub.f32 v3, v36;
	v46 =	vmul.f32 v16, v16;
	v45 =	vmul.f32 $1.428571490e-01, v44  }
0x124: {  	v15 =	vadd.f32 v15, v15;
	v17 =	vadd.f32 v17, v17;
	v18 =	vmul.f32 v41, v34  }
0x125: {  	v4 =	vadd.f32 $1.000000000e+00, v4;
	v48 =	vmul.f32 $1.428571490e-01, v46;
	v47 =	vadd.f32 $2.000000030e-01, v45  }
0x126: {  	v18 =	vadd.f32 $3.333333430e-01, v18;
	v13 =	vshrl.u32 v61, $0x17;
	v10 =	vshrl.u32 v10, $0x17  }
0x127: {  	v4 =	vmul.f32 v4, v15;
	v50 =	vadd.f32 $2.000000030e-01, v48;
	v49 =	vmul.f32 v47, v44  }
0x128: {  	v18 =	vmul.f32 v18, v34;
	v13 =	vand.u32 $0xFF, v13;
	v10 =	vand.u32 $0xFF, v10  }
0x129: {  	v4 =	vadd.f32 v4, v11;
	v15 =	vmul.f32 v50, v46;
	v11 =	vadd.f32 $3.333333430e-01, v49  }
0x12a: {  	v13 =	vadd.s32 $0xFFFFFF81, v13;
	v18 =	vadd.f32 $1.000000000e+00, v18;
	v10 =	vadd.s32 $0xFFFFFF81, v10  }
0x12b: {  	v51 =	vcvt.s32.f32 v13;
	v15 =	vadd.f32 $3.333333430e-01, v15;
	v11 =	vmul.f32 v11, v44  }
0x12c: {  	v40 =	vnsel vm11, $0x0, v37;
	v10 =	vcvt.s32.f32 v10;
	v17 =	vmul.f32 v18, v17  }
0x12d: {  	v14 =	vadd.f32 v14, v14;
	v15 =	vmul.f32 v15, v46;
	v11 =	vadd.f32 $1.000000000e+00, v11  }
0x12e: {  	v10 =	vmul.f32 $6.931471820e-01, v10;
	v9 =	vadd.f32 v17, v9;
	v4 =	vmul.f32 v4, v12  }
0x12f: {  	v52 =	vadd.f32 v16, v16;
	v53 =	vadd.f32 $1.000000000e+00, v15;
	v11 =	vmul.f32 v11, v14  }
0x130: {  	v3 =	vsub.f32 v3, v40;
	v57 =	vmul.f32 $6.931471820e-01, v51;
	v54 =	vmul.f32 v9, v6  }
0x131: {  	v4 =	vnsel vm12, $0x0, v4;
	v56 =	vmul.f32 v53, v52;
	v55 =	vadd.f32 v11, v10  }
0x132: {  	vm13 =	vgt.f32 v6, $0.0e+00;
	v3 =	vsub.f32 v3, v4  }
0x133: {  	v58 =	vnsel vm13, $0x0, v54;
	v60 =	vadd.f32 v56, v57;
	v59 =	vmul.f32 v55, v8  }
0x134: {  	vm14 =	vgt.f32 v8, $0.0e+00;
	v3 =	vsub.f32 v3, v58  }
0x135: {  	v62 =	vmul.f32 v60, v7;
	v61 =	vnsel vm14, $0x0, v59  }
0x136: {  	vm15 =	vgt.f32 v7, $0.0e+00;
	v3 =	vsub.f32 v3, v61  }
0x137: {  	v63 =	vnsel vm15, $0x0, v62  }
0x138: {  	v3 =	vsub.f32 v3, v63;
	_ =	sdelay $0x1  }
0x139: {  	(xrf2) =	vadd.scan.msk.f32 $0xffff, v3;
	_ =	sdelay $0x9  }
0x13a: {  	v3, _, _ =	vpop (xrf2)  }
0x13b: {  	v3 =	vmul.f32 $1.442695020e+00, v3;
	_ =	sdelay $0x1  }
0x13c: {  	v3 =	vbroadcast v3, $0xF;
	_ =	sdelay $0x1  }
0x13d: {  	(erf) = vpow2.f32 v3;
	_ =	sdelay $0x7  }
0x13e: {  	s9 =	sadd.s32 $0x1, s9  }
0x13f: {  	p0 =	sne.s32 s9, s5;
	v3 =	vpop (erf)  }
.Ltmp3:
0x140: {  	[tilespmem:$0x8000] =	vst v3;
	(pc) =	sbr.rel @p0 .LBB2_1-.Ltmp3, $4  }
0x141: {  	[hbm4b:s4+s2] =	stream.linear.scatter [tilespmem:s8], [sflag:$0x1], $0x10, $0x38;
	[tilespmem:$0x8010] =	vst v63  }
0x142: {  	_ =	swait.ge [sflag:s6], $0x10  }
0x143: {  	[sflag:s6] =	ssyncset.done $0x0  }
0x144: {  	[sflag:s6] =	ssyncadd.s32 $0xFFFFFFF0  }
0x145: {  	_ =	sfence.sel $0x180000  }
0x146: {  	[bflag:$0x0] =	sbarrier.arrive $0xFFFF  }
0x147: {  	p0 =	sne.s32 s0, $0x0;
	_ =	strace $0x90000047  }
0x148: {  	s0 =	sadd.s32 @!p0 $0x100000, s1;
	[bflag:$0x2] =	sbarrier.arrive $0xFFFF  }
0x149: {  	[sflag:s0] =	ssyncadd.tile.s32 @!p0 $0x1;
	_ =	shalt  }
.Lfunc_end2:
_tile_overlayer_lowered:
.L_overlay_start_2:
0x14a: {  	(tag) =	ssettag $0x2  }
0x14b: {  	s0 =	rddreg [dreg:$0x0];
	s2 =	stileid.u32  }
0x14c: {  	s1 =	rddreg [dreg:$0x1];
	p0 =	sne.s32 s2, $0x0  }
0x14d: {  	s3 =	rddreg [dreg:$0x2];
	[bflag:$0x3] =	sbarrier.arrive $0xFFFF;
	s2 =	simm.s32 @!p0 $0x1C01  }
0x14e: {  	[timem:s3], [sflag:s2] =	dma.local @!p0 [hbm:s0], s1  }
0x14f: {  	s0 =	simm.s32 @!p0 $0x1  }
0x150: {  	_ =	swait.ge @!p0 [sflag:s0], s1  }
0x151: {  	s1 =	ssub.s32 @!p0 $0x0, s1;
	[sflag:s0] =	ssyncset.done @!p0 $0x0  }
0x152: {  	[sflag:s0] =	ssyncadd.s32 @!p0 s1  }
0x153: {  	[bflag:$0x3] =	sbarrier.arrive $0xFFFF  }
0x154: {  	_ =	shalt  }

</sc_bundles>
